<compile_context>
chip_gen: v7x
topology: tpu7x:2x2x1
jax: 0.10.2.dev20260603
libtpu: 0.0.44.dev20260713+nightly
codegen_flags: <defaults>
</compile_context>

<pallas_src>
import functools
import jax
import jax.numpy as jnp
from jax import lax
from jax.experimental import pallas as pl
from jax.experimental.pallas import tpu as pltpu
from jax.experimental.pallas import tpu_sc as plsc

_NC = 2
_NS = 16
_NW = _NC * _NS
_TR = 32
_B_TC = 2
_MBLK = 512


def _tc_body(x_ref, p_ref, o_ref):
    o_ref[...] = x_ref[...] + p_ref[...]


def _tc_part(x2, pos_table, B_tc, M, D):
    grid = (M // _MBLK, B_tc)
    return pl.pallas_call(
        _tc_body,
        grid=grid,
        in_specs=[
            pl.BlockSpec((_MBLK, D), lambda i, b: (b * (M // _MBLK) + i, 0)),
            pl.BlockSpec((_MBLK, D), lambda i, b: (i, 0)),
        ],
        out_specs=pl.BlockSpec((_MBLK, D), lambda i, b: (b * (M // _MBLK) + i, 0)),
        out_shape=jax.ShapeDtypeStruct((B_tc * M, D), jnp.float32),
    )(x2, pos_table)


def _sc_part(x2, pos_table, b0, B, M, D):
    nb = B - b0
    mw = M // _NW
    nt = mw // _TR
    mesh = plsc.VectorSubcoreMesh(core_axis_name="c", subcore_axis_name="s")

    @functools.partial(
        pl.kernel,
        mesh=mesh,
        out_type=jax.ShapeDtypeStruct((nb * M, D), jnp.float32),
        scratch_types=[
            pltpu.VMEM((_TR, D), jnp.float32),
            pltpu.VMEM((_TR, D), jnp.float32),
            pltpu.VMEM((_TR, D), jnp.float32),
            pltpu.SemaphoreType.DMA,
            pltpu.SemaphoreType.DMA,
            pltpu.SemaphoreType.DMA,
            pltpu.SemaphoreType.DMA,
        ],
    )
    def k(x_hbm, p_hbm, o_hbm, pbuf, ob0, ob1, si0, si1, so0, so1):
        c = lax.axis_index("c")
        s = lax.axis_index("s")
        wid = s * _NC + c
        m0 = wid * mw
        ob = (ob0, ob1)
        si = (si0, si1)
        so = (so0, so1)

        def add_tile(buf):
            def row_body(r, _):
                for j in range(D // 16):
                    sl = pl.ds(j * 16, 16)
                    plsc.addupdate(buf.at[r, sl], pbuf[r, sl])
                return 0

            lax.fori_loop(0, _TR, row_body, 0)

        def tile_body(t, _):
            prow = m0 + t * _TR
            pltpu.sync_copy(p_hbm.at[pl.ds(prow, _TR)], pbuf)
            din = [None] * nb
            dout = [None] * nb
            din[0] = pltpu.async_copy(
                x_hbm.at[pl.ds(b0 * M + prow, _TR)], ob[0], si[0]
            )
            for i in range(nb):
                if i + 1 < nb:
                    if i >= 1:
                        dout[i - 1].wait()
                    nxt = (b0 + i + 1) * M + prow
                    din[i + 1] = pltpu.async_copy(
                        x_hbm.at[pl.ds(nxt, _TR)], ob[(i + 1) % 2], si[(i + 1) % 2]
                    )
                din[i].wait()
                add_tile(ob[i % 2])
                dout[i] = pltpu.async_copy(
                    ob[i % 2], o_hbm.at[pl.ds(i * M + prow, _TR)], so[i % 2]
                )
            if nb >= 2:
                dout[nb - 2].wait()
            dout[nb - 1].wait()
            return 0

        lax.fori_loop(0, nt, tile_body, 0)

    return k(x2, pos_table)


def kernel(x, pos_table):
    B, M, D = x.shape
    x2 = x.reshape(B * M, D)
    sc_out = _sc_part(x2, pos_table, _B_TC, B, M, D)
    tc_out = _tc_part(x2, pos_table, _B_TC, M, D)
    out2 = jnp.concatenate([tc_out, sc_out], axis=0)
    return out2.reshape(B, M, D)

# --- scband reference (transcript-rebuilt; emitter-appended) ---
"""Pipeline reference for scband-token-and-position-embedding-60387240182346 (READ-ONLY COPY).

The authoritative reference and input builder live on the scoring server;
editing this copy changes nothing except your own understanding.
"""

import jax, jax.numpy as jnp
import numpy as np

MAXLEN = 8192
EMBED_DIM = 768
BATCH = 4

def setup_inputs(seed: int = 0) -> dict:
    key = jax.random.key(seed)
    k1, k2 = jax.random.split(key)
    x = jax.random.normal(k1, (BATCH, MAXLEN, EMBED_DIM), dtype=jnp.float32)
    pos_table = jax.random.normal(k2, (MAXLEN, EMBED_DIM), dtype=jnp.float32) * 0.02
    return {"x": x, "pos_table": pos_table}

def reference(x, pos_table):
    positions = jnp.arange(0, MAXLEN, 1)
    pos = jnp.take(pos_table, positions, axis=0)  # embedding lookup
    x = jnp.reshape(x, (-1, MAXLEN, EMBED_DIM))
    out = x + pos[None, :, :]
    return out

if __name__ == "__main__":
    import jax
    _d = setup_inputs()
    print(jax.jit(kernel)(*tuple(_d.values())))

</pallas_src>

<mosaic_0001>
#map = affine_map<(d0, d1) -> (0, 0)>
module attributes {stable_mosaic.version = 14 : i64} {
  func.func @k(%arg0: i32, %arg1: i32, %arg2: memref<32768x768xf32, #tpu.memory_space<hbm>>, %arg3: memref<8192x768xf32, #tpu.memory_space<hbm>>, %arg4: memref<16384x768xf32, #tpu.memory_space<hbm>>, %arg5: memref<32x768xf32, #tpu.memory_space<vmem>>, %arg6: memref<32x768xf32, #tpu.memory_space<vmem>>, %arg7: memref<32x768xf32, #tpu.memory_space<vmem>>, %arg8: memref<!tpu.dma_semaphore, #tpu.memory_space<semaphore_mem>>, %arg9: memref<!tpu.dma_semaphore, #tpu.memory_space<semaphore_mem>>, %arg10: memref<!tpu.dma_semaphore, #tpu.memory_space<semaphore_mem>>, %arg11: memref<!tpu.dma_semaphore, #tpu.memory_space<semaphore_mem>>) attributes {dimension_semantics = [#tpu.dimension_semantics<core_parallel>, #tpu.dimension_semantics<subcore_parallel>], iteration_bounds = array<i64: 2, 16>, scalar_prefetch = 0 : i64, scratch_operands = 7 : i64, tpu.core_type = #tpu.core_type<sc_vector_subcore>, window_params = [{transform_indices = #map}, {transform_indices = #map}, {transform_indices = #map}]} {
    %mul3A = arith.constant 2 : i32
    %mul3A_0 = arith.muli %arg1, %mul3A : i32
    %add3A = arith.addi %mul3A_0, %arg0 : i32
    %mul3A_1 = arith.constant 256 : i32
    %mul3A_2 = arith.muli %add3A, %mul3A_1 : i32
    %scan3A = arith.constant 0 : i32
    %scan3A_3 = arith.constant 0 : i32
    %scan3A_4 = arith.constant 8 : i32
    %scan3A_5 = arith.addi %scan3A_3, %scan3A_4 : i32
    %scan3A_6 = arith.constant 1 : i32
    %scan3A_7 = scf.for %scan3A_9 = %scan3A_3 to %scan3A_5 step %scan3A_6 iter_args(%scan3A_10 = %scan3A) -> (i32)  : i32 {
      %mul3A_11 = arith.constant 32 : i32
      %mul3A_12 = arith.muli %scan3A_9, %mul3A_11 : i32
      %add3A_13 = arith.addi %mul3A_2, %mul3A_12 : i32
      "tpu.region"() ({
        %run_scoped3A = tpu.sem_alloc : memref<!tpu.dma_semaphore, #tpu.memory_space<semaphore_mem>>
        %dma_start3A_67 = arith.constant 0 : i32
        %dma_start3A_68 = tpu.memref_slice %arg3[%add3A_13, %dma_start3A_67] : memref<8192x768xf32, #tpu.memory_space<hbm>> -> memref<32x768xf32, #tpu.memory_space<hbm>>
        %dma_start3A_69 = arith.constant 0 : i32
        %dma_start3A_70 = tpu.memref_slice %arg3[%add3A_13, %dma_start3A_69] : memref<8192x768xf32, #tpu.memory_space<hbm>> -> memref<32x768xf32, #tpu.memory_space<hbm>>
        tpu.enqueue_dma source(%dma_start3A_70 : memref<32x768xf32, #tpu.memory_space<hbm>>) target(%arg5 : memref<32x768xf32, #tpu.memory_space<vmem>>) target_semaphore(%run_scoped3A : memref<!tpu.dma_semaphore, #tpu.memory_space<semaphore_mem>>)
        %dma_wait3A_71 = arith.constant 0 : i32
        %dma_wait3A_72 = tpu.memref_slice %arg3[%add3A_13, %dma_wait3A_71] : memref<8192x768xf32, #tpu.memory_space<hbm>> -> memref<32x768xf32, #tpu.memory_space<hbm>>
        %dma_wait3A_73 = arith.constant 0 : i32
        %dma_wait3A_74 = tpu.memref_slice %arg3[%add3A_13, %dma_wait3A_73] : memref<8192x768xf32, #tpu.memory_space<hbm>> -> memref<32x768xf32, #tpu.memory_space<hbm>>
        tpu.wait_dma2 semaphore(%run_scoped3A : memref<!tpu.dma_semaphore, #tpu.memory_space<semaphore_mem>>) src(%dma_wait3A_74 : memref<32x768xf32, #tpu.memory_space<hbm>>) dst(%arg5 : memref<32x768xf32, #tpu.memory_space<vmem>>)
        tpu.yield
      }) : () -> ()
      %add3A_14 = arith.constant 16384 : i32
      %add3A_15 = arith.addi %add3A_14, %add3A_13 : i32
      %dma_start3A = arith.constant 0 : i32
      %dma_start3A_16 = tpu.memref_slice %arg2[%add3A_15, %dma_start3A] : memref<32768x768xf32, #tpu.memory_space<hbm>> -> memref<32x768xf32, #tpu.memory_space<hbm>>
      %dma_start3A_17 = arith.constant 0 : i32
      %dma_start3A_18 = tpu.memref_slice %arg2[%add3A_15, %dma_start3A_17] : memref<32768x768xf32, #tpu.memory_space<hbm>> -> memref<32x768xf32, #tpu.memory_space<hbm>>
      tpu.enqueue_dma source(%dma_start3A_18 : memref<32x768xf32, #tpu.memory_space<hbm>>) target(%arg6 : memref<32x768xf32, #tpu.memory_space<vmem>>) target_semaphore(%arg8 : memref<!tpu.dma_semaphore, #tpu.memory_space<semaphore_mem>>)
      %add3A_19 = arith.constant 24576 : i32
      %add3A_20 = arith.addi %add3A_19, %add3A_13 : i32
      %dma_start3A_21 = arith.constant 0 : i32
      %dma_start3A_22 = tpu.memref_slice %arg2[%add3A_20, %dma_start3A_21] : memref<32768x768xf32, #tpu.memory_space<hbm>> -> memref<32x768xf32, #tpu.memory_space<hbm>>
      %dma_start3A_23 = arith.constant 0 : i32
      %dma_start3A_24 = tpu.memref_slice %arg2[%add3A_20, %dma_start3A_23] : memref<32768x768xf32, #tpu.memory_space<hbm>> -> memref<32x768xf32, #tpu.memory_space<hbm>>
      tpu.enqueue_dma source(%dma_start3A_24 : memref<32x768xf32, #tpu.memory_space<hbm>>) target(%arg7 : memref<32x768xf32, #tpu.memory_space<vmem>>) target_semaphore(%arg9 : memref<!tpu.dma_semaphore, #tpu.memory_space<semaphore_mem>>)
      %dma_wait3A = arith.constant 0 : i32
      %dma_wait3A_25 = tpu.memref_slice %arg2[%add3A_15, %dma_wait3A] : memref<32768x768xf32, #tpu.memory_space<hbm>> -> memref<32x768xf32, #tpu.memory_space<hbm>>
      %dma_wait3A_26 = arith.constant 0 : i32
      %dma_wait3A_27 = tpu.memref_slice %arg2[%add3A_15, %dma_wait3A_26] : memref<32768x768xf32, #tpu.memory_space<hbm>> -> memref<32x768xf32, #tpu.memory_space<hbm>>
      tpu.wait_dma2 semaphore(%arg8 : memref<!tpu.dma_semaphore, #tpu.memory_space<semaphore_mem>>) src(%dma_wait3A_27 : memref<32x768xf32, #tpu.memory_space<hbm>>) dst(%arg6 : memref<32x768xf32, #tpu.memory_space<vmem>>)
      %scan3A_28 = arith.constant 0 : i32
      %scan3A_29 = arith.constant 0 : i32
      %scan3A_30 = arith.constant 32 : i32
      %scan3A_31 = arith.addi %scan3A_29, %scan3A_30 : i32
      %scan3A_32 = arith.constant 1 : i32
      %scan3A_33 = scf.for %scan3A_67 = %scan3A_29 to %scan3A_31 step %scan3A_32 iter_args(%scan3A_68 = %scan3A_28) -> (i32)  : i32 {
        %get3A = arith.index_cast %scan3A_67 : i32 to index
        %get3A_69 = arith.constant 0 : index
        %get3A_70 = tpu.vector_load %arg5[%get3A, %get3A_69] {strides = array<i32>} : memref<32x768xf32, #tpu.memory_space<vmem>>, vector<1x16xf32>,
        %get3A_71 = vector.shape_cast %get3A_70 : vector<1x16xf32> to vector<16xf32>
        %swap3A = arith.index_cast %scan3A_67 : i32 to index
        %swap3A_72 = arith.constant 0 : index
        %swap3A_73 = tpu.vector_load %arg6[%swap3A, %swap3A_72] {strides = array<i32>} : memref<32x768xf32, #tpu.memory_space<vmem>>, vector<1x16xf32>,
        %swap3A_74 = vector.shape_cast %swap3A_73 : vector<1x16xf32> to vector<16xf32>
        %swap3A_75 = vector.shape_cast %get3A_71 : vector<16xf32> to vector<1x16xf32>
        tpu.vector_store %arg6[%swap3A, %swap3A_72], %swap3A_75 {add = true, strides = array<i32>} : memref<32x768xf32, #tpu.memory_space<vmem>>, vector<1x16xf32>,
        %get3A_76 = arith.index_cast %scan3A_67 : i32 to index
        %get3A_77 = arith.constant 16 : index
        %get3A_78 = tpu.vector_load %arg5[%get3A_76, %get3A_77] {strides = array<i32>} : memref<32x768xf32, #tpu.memory_space<vmem>>, vector<1x16xf32>,
        %get3A_79 = vector.shape_cast %get3A_78 : vector<1x16xf32> to vector<16xf32>
        %swap3A_80 = arith.index_cast %scan3A_67 : i32 to index
        %swap3A_81 = arith.constant 16 : index
        %swap3A_82 = tpu.vector_load %arg6[%swap3A_80, %swap3A_81] {strides = array<i32>} : memref<32x768xf32, #tpu.memory_space<vmem>>, vector<1x16xf32>,
        %swap3A_83 = vector.shape_cast %swap3A_82 : vector<1x16xf32> to vector<16xf32>
        %swap3A_84 = vector.shape_cast %get3A_79 : vector<16xf32> to vector<1x16xf32>
        tpu.vector_store %arg6[%swap3A_80, %swap3A_81], %swap3A_84 {add = true, strides = array<i32>} : memref<32x768xf32, #tpu.memory_space<vmem>>, vector<1x16xf32>,
        %get3A_85 = arith.index_cast %scan3A_67 : i32 to index
        %get3A_86 = arith.constant 32 : index
        %get3A_87 = tpu.vector_load %arg5[%get3A_85, %get3A_86] {strides = array<i32>} : memref<32x768xf32, #tpu.memory_space<vmem>>, vector<1x16xf32>,
        %get3A_88 = vector.shape_cast %get3A_87 : vector<1x16xf32> to vector<16xf32>
        %swap3A_89 = arith.index_cast %scan3A_67 : i32 to index
        %swap3A_90 = arith.constant 32 : index
        %swap3A_91 = tpu.vector_load %arg6[%swap3A_89, %swap3A_90] {strides = array<i32>} : memref<32x768xf32, #tpu.memory_space<vmem>>, vector<1x16xf32>,
        %swap3A_92 = vector.shape_cast %swap3A_91 : vector<1x16xf32> to vector<16xf32>
        %swap3A_93 = vector.shape_cast %get3A_88 : vector<16xf32> to vector<1x16xf32>
        tpu.vector_store %arg6[%swap3A_89, %swap3A_90], %swap3A_93 {add = true, strides = array<i32>} : memref<32x768xf32, #tpu.memory_space<vmem>>, vector<1x16xf32>,
        %get3A_94 = arith.index_cast %scan3A_67 : i32 to index
        %get3A_95 = arith.constant 48 : index
        %get3A_96 = tpu.vector_load %arg5[%get3A_94, %get3A_95] {strides = array<i32>} : memref<32x768xf32, #tpu.memory_space<vmem>>, vector<1x16xf32>,
        %get3A_97 = vector.shape_cast %get3A_96 : vector<1x16xf32> to vector<16xf32>
        %swap3A_98 = arith.index_cast %scan3A_67 : i32 to index
        %swap3A_99 = arith.constant 48 : index
        %swap3A_100 = tpu.vector_load %arg6[%swap3A_98, %swap3A_99] {strides = array<i32>} : memref<32x768xf32, #tpu.memory_space<vmem>>, vector<1x16xf32>,
        %swap3A_101 = vector.shape_cast %swap3A_100 : vector<1x16xf32> to vector<16xf32>
        %swap3A_102 = vector.shape_cast %get3A_97 : vector<16xf32> to vector<1x16xf32>
        tpu.vector_store %arg6[%swap3A_98, %swap3A_99], %swap3A_102 {add = true, strides = array<i32>} : memref<32x768xf32, #tpu.memory_space<vmem>>, vector<1x16xf32>,
        %get3A_103 = arith.index_cast %scan3A_67 : i32 to index
        %get3A_104 = arith.constant 64 : index
        %get3A_105 = tpu.vector_load %arg5[%get3A_103, %get3A_104] {strides = array<i32>} : memref<32x768xf32, #tpu.memory_space<vmem>>, vector<1x16xf32>,
        %get3A_106 = vector.shape_cast %get3A_105 : vector<1x16xf32> to vector<16xf32>
        %swap3A_107 = arith.index_cast %scan3A_67 : i32 to index
        %swap3A_108 = arith.constant 64 : index
        %swap3A_109 = tpu.vector_load %arg6[%swap3A_107, %swap3A_108] {strides = array<i32>} : memref<32x768xf32, #tpu.memory_space<vmem>>, vector<1x16xf32>,
        %swap3A_110 = vector.shape_cast %swap3A_109 : vector<1x16xf32> to vector<16xf32>
        %swap3A_111 = vector.shape_cast %get3A_106 : vector<16xf32> to vector<1x16xf32>
        tpu.vector_store %arg6[%swap3A_107, %swap3A_108], %swap3A_111 {add = true, strides = array<i32>} : memref<32x768xf32, #tpu.memory_space<vmem>>, vector<1x16xf32>,
        %get3A_112 = arith.index_cast %scan3A_67 : i32 to index
        %get3A_113 = arith.constant 80 : index
        %get3A_114 = tpu.vector_load %arg5[%get3A_112, %get3A_113] {strides = array<i32>} : memref<32x768xf32, #tpu.memory_space<vmem>>, vector<1x16xf32>,
        %get3A_115 = vector.shape_cast %get3A_114 : vector<1x16xf32> to vector<16xf32>
        %swap3A_116 = arith.index_cast %scan3A_67 : i32 to index
        %swap3A_117 = arith.constant 80 : index
        %swap3A_118 = tpu.vector_load %arg6[%swap3A_116, %swap3A_117] {strides = array<i32>} : memref<32x768xf32, #tpu.memory_space<vmem>>, vector<1x16xf32>,
        %swap3A_119 = vector.shape_cast %swap3A_118 : vector<1x16xf32> to vector<16xf32>
        %swap3A_120 = vector.shape_cast %get3A_115 : vector<16xf32> to vector<1x16xf32>
        tpu.vector_store %arg6[%swap3A_116, %swap3A_117], %swap3A_120 {add = true, strides = array<i32>} : memref<32x768xf32, #tpu.memory_space<vmem>>, vector<1x16xf32>,
        %get3A_121 = arith.index_cast %scan3A_67 : i32 to index
        %get3A_122 = arith.constant 96 : index
        %get3A_123 = tpu.vector_load %arg5[%get3A_121, %get3A_122] {strides = array<i32>} : memref<32x768xf32, #tpu.memory_space<vmem>>, vector<1x16xf32>,
        %get3A_124 = vector.shape_cast %get3A_123 : vector<1x16xf32> to vector<16xf32>
        %swap3A_125 = arith.index_cast %scan3A_67 : i32 to index
        %swap3A_126 = arith.constant 96 : index
        %swap3A_127 = tpu.vector_load %arg6[%swap3A_125, %swap3A_126] {strides = array<i32>} : memref<32x768xf32, #tpu.memory_space<vmem>>, vector<1x16xf32>,
        %swap3A_128 = vector.shape_cast %swap3A_127 : vector<1x16xf32> to vector<16xf32>
        %swap3A_129 = vector.shape_cast %get3A_124 : vector<16xf32> to vector<1x16xf32>
        tpu.vector_store %arg6[%swap3A_125, %swap3A_126], %swap3A_129 {add = true, strides = array<i32>} : memref<32x768xf32, #tpu.memory_space<vmem>>, vector<1x16xf32>,
        %get3A_130 = arith.index_cast %scan3A_67 : i32 to index
        %get3A_131 = arith.constant 112 : index
        %get3A_132 = tpu.vector_load %arg5[%get3A_130, %get3A_131] {strides = array<i32>} : memref<32x768xf32, #tpu.memory_space<vmem>>, vector<1x16xf32>,
        %get3A_133 = vector.shape_cast %get3A_132 : vector<1x16xf32> to vector<16xf32>
        %swap3A_134 = arith.index_cast %scan3A_67 : i32 to index
        %swap3A_135 = arith.constant 112 : index
        %swap3A_136 = tpu.vector_load %arg6[%swap3A_134, %swap3A_135] {strides = array<i32>} : memref<32x768xf32, #tpu.memory_space<vmem>>, vector<1x16xf32>,
        %swap3A_137 = vector.shape_cast %swap3A_136 : vector<1x16xf32> to vector<16xf32>
        %swap3A_138 = vector.shape_cast %get3A_133 : vector<16xf32> to vector<1x16xf32>
        tpu.vector_store %arg6[%swap3A_134, %swap3A_135], %swap3A_138 {add = true, strides = array<i32>} : memref<32x768xf32, #tpu.memory_space<vmem>>, vector<1x16xf32>,
        %get3A_139 = arith.index_cast %scan3A_67 : i32 to index
        %get3A_140 = arith.constant 128 : index
        %get3A_141 = tpu.vector_load %arg5[%get3A_139, %get3A_140] {strides = array<i32>} : memref<32x768xf32, #tpu.memory_space<vmem>>, vector<1x16xf32>,
        %get3A_142 = vector.shape_cast %get3A_141 : vector<1x16xf32> to vector<16xf32>
        %swap3A_143 = arith.index_cast %scan3A_67 : i32 to index
        %swap3A_144 = arith.constant 128 : index
        %swap3A_145 = tpu.vector_load %arg6[%swap3A_143, %swap3A_144] {strides = array<i32>} : memref<32x768xf32, #tpu.memory_space<vmem>>, vector<1x16xf32>,
        %swap3A_146 = vector.shape_cast %swap3A_145 : vector<1x16xf32> to vector<16xf32>
        %swap3A_147 = vector.shape_cast %get3A_142 : vector<16xf32> to vector<1x16xf32>
        tpu.vector_store %arg6[%swap3A_143, %swap3A_144], %swap3A_147 {add = true, strides = array<i32>} : memref<32x768xf32, #tpu.memory_space<vmem>>, vector<1x16xf32>,
        %get3A_148 = arith.index_cast %scan3A_67 : i32 to index
        %get3A_149 = arith.constant 144 : index
        %get3A_150 = tpu.vector_load %arg5[%get3A_148, %get3A_149] {strides = array<i32>} : memref<32x768xf32, #tpu.memory_space<vmem>>, vector<1x16xf32>,
        %get3A_151 = vector.shape_cast %get3A_150 : vector<1x16xf32> to vector<16xf32>
        %swap3A_152 = arith.index_cast %scan3A_67 : i32 to index
        %swap3A_153 = arith.constant 144 : index
        %swap3A_154 = tpu.vector_load %arg6[%swap3A_152, %swap3A_153] {strides = array<i32>} : memref<32x768xf32, #tpu.memory_space<vmem>>, vector<1x16xf32>,
        %swap3A_155 = vector.shape_cast %swap3A_154 : vector<1x16xf32> to vector<16xf32>
        %swap3A_156 = vector.shape_cast %get3A_151 : vector<16xf32> to vector<1x16xf32>
        tpu.vector_store %arg6[%swap3A_152, %swap3A_153], %swap3A_156 {add = true, strides = array<i32>} : memref<32x768xf32, #tpu.memory_space<vmem>>, vector<1x16xf32>,
        %get3A_157 = arith.index_cast %scan3A_67 : i32 to index
        %get3A_158 = arith.constant 160 : index
        %get3A_159 = tpu.vector_load %arg5[%get3A_157, %get3A_158] {strides = array<i32>} : memref<32x768xf32, #tpu.memory_space<vmem>>, vector<1x16xf32>,
        %get3A_160 = vector.shape_cast %get3A_159 : vector<1x16xf32> to vector<16xf32>
        %swap3A_161 = arith.index_cast %scan3A_67 : i32 to index
        %swap3A_162 = arith.constant 160 : index
        %swap3A_163 = tpu.vector_load %arg6[%swap3A_161, %swap3A_162] {strides = array<i32>} : memref<32x768xf32, #tpu.memory_space<vmem>>, vector<1x16xf32>,
        %swap3A_164 = vector.shape_cast %swap3A_163 : vector<1x16xf32> to vector<16xf32>
        %swap3A_165 = vector.shape_cast %get3A_160 : vector<16xf32> to vector<1x16xf32>
        tpu.vector_store %arg6[%swap3A_161, %swap3A_162], %swap3A_165 {add = true, strides = array<i32>} : memref<32x768xf32, #tpu.memory_space<vmem>>, vector<1x16xf32>,
        %get3A_166 = arith.index_cast %scan3A_67 : i32 to index
        %get3A_167 = arith.constant 176 : index
        %get3A_168 = tpu.vector_load %arg5[%get3A_166, %get3A_167] {strides = array<i32>} : memref<32x768xf32, #tpu.memory_space<vmem>>, vector<1x16xf32>,
        %get3A_169 = vector.shape_cast %get3A_168 : vector<1x16xf32> to vector<16xf32>
        %swap3A_170 = arith.index_cast %scan3A_67 : i32 to index
        %swap3A_171 = arith.constant 176 : index
        %swap3A_172 = tpu.vector_load %arg6[%swap3A_170, %swap3A_171] {strides = array<i32>} : memref<32x768xf32, #tpu.memory_space<vmem>>, vector<1x16xf32>,
        %swap3A_173 = vector.shape_cast %swap3A_172 : vector<1x16xf32> to vector<16xf32>
        %swap3A_174 = vector.shape_cast %get3A_169 : vector<16xf32> to vector<1x16xf32>
        tpu.vector_store %arg6[%swap3A_170, %swap3A_171], %swap3A_174 {add = true, strides = array<i32>} : memref<32x768xf32, #tpu.memory_space<vmem>>, vector<1x16xf32>,
        %get3A_175 = arith.index_cast %scan3A_67 : i32 to index
        %get3A_176 = arith.constant 192 : index
        %get3A_177 = tpu.vector_load %arg5[%get3A_175, %get3A_176] {strides = array<i32>} : memref<32x768xf32, #tpu.memory_space<vmem>>, vector<1x16xf32>,
        %get3A_178 = vector.shape_cast %get3A_177 : vector<1x16xf32> to vector<16xf32>
        %swap3A_179 = arith.index_cast %scan3A_67 : i32 to index
        %swap3A_180 = arith.constant 192 : index
        %swap3A_181 = tpu.vector_load %arg6[%swap3A_179, %swap3A_180] {strides = array<i32>} : memref<32x768xf32, #tpu.memory_space<vmem>>, vector<1x16xf32>,
        %swap3A_182 = vector.shape_cast %swap3A_181 : vector<1x16xf32> to vector<16xf32>
        %swap3A_183 = vector.shape_cast %get3A_178 : vector<16xf32> to vector<1x16xf32>
        tpu.vector_store %arg6[%swap3A_179, %swap3A_180], %swap3A_183 {add = true, strides = array<i32>} : memref<32x768xf32, #tpu.memory_space<vmem>>, vector<1x16xf32>,
        %get3A_184 = arith.index_cast %scan3A_67 : i32 to index
        %get3A_185 = arith.constant 208 : index
        %get3A_186 = tpu.vector_load %arg5[%get3A_184, %get3A_185] {strides = array<i32>} : memref<32x768xf32, #tpu.memory_space<vmem>>, vector<1x16xf32>,
        %get3A_187 = vector.shape_cast %get3A_186 : vector<1x16xf32> to vector<16xf32>
        %swap3A_188 = arith.index_cast %scan3A_67 : i32 to index
        %swap3A_189 = arith.constant 208 : index
        %swap3A_190 = tpu.vector_load %arg6[%swap3A_188, %swap3A_189] {strides = array<i32>} : memref<32x768xf32, #tpu.memory_space<vmem>>, vector<1x16xf32>,
        %swap3A_191 = vector.shape_cast %swap3A_190 : vector<1x16xf32> to vector<16xf32>
        %swap3A_192 = vector.shape_cast %get3A_187 : vector<16xf32> to vector<1x16xf32>
        tpu.vector_store %arg6[%swap3A_188, %swap3A_189], %swap3A_192 {add = true, strides = array<i32>} : memref<32x768xf32, #tpu.memory_space<vmem>>, vector<1x16xf32>,
        %get3A_193 = arith.index_cast %scan3A_67 : i32 to index
        %get3A_194 = arith.constant 224 : index
        %get3A_195 = tpu.vector_load %arg5[%get3A_193, %get3A_194] {strides = array<i32>} : memref<32x768xf32, #tpu.memory_space<vmem>>, vector<1x16xf32>,
        %get3A_196 = vector.shape_cast %get3A_195 : vector<1x16xf32> to vector<16xf32>
        %swap3A_197 = arith.index_cast %scan3A_67 : i32 to index
        %swap3A_198 = arith.constant 224 : index
        %swap3A_199 = tpu.vector_load %arg6[%swap3A_197, %swap3A_198] {strides = array<i32>} : memref<32x768xf32, #tpu.memory_space<vmem>>, vector<1x16xf32>,
        %swap3A_200 = vector.shape_cast %swap3A_199 : vector<1x16xf32> to vector<16xf32>
        %swap3A_201 = vector.shape_cast %get3A_196 : vector<16xf32> to vector<1x16xf32>
        tpu.vector_store %arg6[%swap3A_197, %swap3A_198], %swap3A_201 {add = true, strides = array<i32>} : memref<32x768xf32, #tpu.memory_space<vmem>>, vector<1x16xf32>,
        %get3A_202 = arith.index_cast %scan3A_67 : i32 to index
        %get3A_203 = arith.constant 240 : index
        %get3A_204 = tpu.vector_load %arg5[%get3A_202, %get3A_203] {strides = array<i32>} : memref<32x768xf32, #tpu.memory_space<vmem>>, vector<1x16xf32>,
        %get3A_205 = vector.shape_cast %get3A_204 : vector<1x16xf32> to vector<16xf32>
        %swap3A_206 = arith.index_cast %scan3A_67 : i32 to index
        %swap3A_207 = arith.constant 240 : index
        %swap3A_208 = tpu.vector_load %arg6[%swap3A_206, %swap3A_207] {strides = array<i32>} : memref<32x768xf32, #tpu.memory_space<vmem>>, vector<1x16xf32>,
        %swap3A_209 = vector.shape_cast %swap3A_208 : vector<1x16xf32> to vector<16xf32>
        %swap3A_210 = vector.shape_cast %get3A_205 : vector<16xf32> to vector<1x16xf32>
        tpu.vector_store %arg6[%swap3A_206, %swap3A_207], %swap3A_210 {add = true, strides = array<i32>} : memref<32x768xf32, #tpu.memory_space<vmem>>, vector<1x16xf32>,
        %get3A_211 = arith.index_cast %scan3A_67 : i32 to index
        %get3A_212 = arith.constant 256 : index
        %get3A_213 = tpu.vector_load %arg5[%get3A_211, %get3A_212] {strides = array<i32>} : memref<32x768xf32, #tpu.memory_space<vmem>>, vector<1x16xf32>,
        %get3A_214 = vector.shape_cast %get3A_213 : vector<1x16xf32> to vector<16xf32>
        %swap3A_215 = arith.index_cast %scan3A_67 : i32 to index
        %swap3A_216 = arith.constant 256 : index
        %swap3A_217 = tpu.vector_load %arg6[%swap3A_215, %swap3A_216] {strides = array<i32>} : memref<32x768xf32, #tpu.memory_space<vmem>>, vector<1x16xf32>,
        %swap3A_218 = vector.shape_cast %swap3A_217 : vector<1x16xf32> to vector<16xf32>
        %swap3A_219 = vector.shape_cast %get3A_214 : vector<16xf32> to vector<1x16xf32>
        tpu.vector_store %arg6[%swap3A_215, %swap3A_216], %swap3A_219 {add = true, strides = array<i32>} : memref<32x768xf32, #tpu.memory_space<vmem>>, vector<1x16xf32>,
        %get3A_220 = arith.index_cast %scan3A_67 : i32 to index
        %get3A_221 = arith.constant 272 : index
        %get3A_222 = tpu.vector_load %arg5[%get3A_220, %get3A_221] {strides = array<i32>} : memref<32x768xf32, #tpu.memory_space<vmem>>, vector<1x16xf32>,
        %get3A_223 = vector.shape_cast %get3A_222 : vector<1x16xf32> to vector<16xf32>
        %swap3A_224 = arith.index_cast %scan3A_67 : i32 to index
        %swap3A_225 = arith.constant 272 : index
        %swap3A_226 = tpu.vector_load %arg6[%swap3A_224, %swap3A_225] {strides = array<i32>} : memref<32x768xf32, #tpu.memory_space<vmem>>, vector<1x16xf32>,
        %swap3A_227 = vector.shape_cast %swap3A_226 : vector<1x16xf32> to vector<16xf32>
        %swap3A_228 = vector.shape_cast %get3A_223 : vector<16xf32> to vector<1x16xf32>
        tpu.vector_store %arg6[%swap3A_224, %swap3A_225], %swap3A_228 {add = true, strides = array<i32>} : memref<32x768xf32, #tpu.memory_space<vmem>>, vector<1x16xf32>,
        %get3A_229 = arith.index_cast %scan3A_67 : i32 to index
        %get3A_230 = arith.constant 288 : index
        %get3A_231 = tpu.vector_load %arg5[%get3A_229, %get3A_230] {strides = array<i32>} : memref<32x768xf32, #tpu.memory_space<vmem>>, vector<1x16xf32>,
        %get3A_232 = vector.shape_cast %get3A_231 : vector<1x16xf32> to vector<16xf32>
        %swap3A_233 = arith.index_cast %scan3A_67 : i32 to index
        %swap3A_234 = arith.constant 288 : index
        %swap3A_235 = tpu.vector_load %arg6[%swap3A_233, %swap3A_234] {strides = array<i32>} : memref<32x768xf32, #tpu.memory_space<vmem>>, vector<1x16xf32>,
        %swap3A_236 = vector.shape_cast %swap3A_235 : vector<1x16xf32> to vector<16xf32>
        %swap3A_237 = vector.shape_cast %get3A_232 : vector<16xf32> to vector<1x16xf32>
        tpu.vector_store %arg6[%swap3A_233, %swap3A_234], %swap3A_237 {add = true, strides = array<i32>} : memref<32x768xf32, #tpu.memory_space<vmem>>, vector<1x16xf32>,
        %get3A_238 = arith.index_cast %scan3A_67 : i32 to index
        %get3A_239 = arith.constant 304 : index
        %get3A_240 = tpu.vector_load %arg5[%get3A_238, %get3A_239] {strides = array<i32>} : memref<32x768xf32, #tpu.memory_space<vmem>>, vector<1x16xf32>,
        %get3A_241 = vector.shape_cast %get3A_240 : vector<1x16xf32> to vector<16xf32>
        %swap3A_242 = arith.index_cast %scan3A_67 : i32 to index
        %swap3A_243 = arith.constant 304 : index
        %swap3A_244 = tpu.vector_load %arg6[%swap3A_242, %swap3A_243] {strides = array<i32>} : memref<32x768xf32, #tpu.memory_space<vmem>>, vector<1x16xf32>,
        %swap3A_245 = vector.shape_cast %swap3A_244 : vector<1x16xf32> to vector<16xf32>
        %swap3A_246 = vector.shape_cast %get3A_241 : vector<16xf32> to vector<1x16xf32>
        tpu.vector_store %arg6[%swap3A_242, %swap3A_243], %swap3A_246 {add = true, strides = array<i32>} : memref<32x768xf32, #tpu.memory_space<vmem>>, vector<1x16xf32>,
        %get3A_247 = arith.index_cast %scan3A_67 : i32 to index
        %get3A_248 = arith.constant 320 : index
        %get3A_249 = tpu.vector_load %arg5[%get3A_247, %get3A_248] {strides = array<i32>} : memref<32x768xf32, #tpu.memory_space<vmem>>, vector<1x16xf32>,
        %get3A_250 = vector.shape_cast %get3A_249 : vector<1x16xf32> to vector<16xf32>
        %swap3A_251 = arith.index_cast %scan3A_67 : i32 to index
        %swap3A_252 = arith.constant 320 : index
        %swap3A_253 = tpu.vector_load %arg6[%swap3A_251, %swap3A_252] {strides = array<i32>} : memref<32x768xf32, #tpu.memory_space<vmem>>, vector<1x16xf32>,
        %swap3A_254 = vector.shape_cast %swap3A_253 : vector<1x16xf32> to vector<16xf32>
        %swap3A_255 = vector.shape_cast %get3A_250 : vector<16xf32> to vector<1x16xf32>
        tpu.vector_store %arg6[%swap3A_251, %swap3A_252], %swap3A_255 {add = true, strides = array<i32>} : memref<32x768xf32, #tpu.memory_space<vmem>>, vector<1x16xf32>,
        %get3A_256 = arith.index_cast %scan3A_67 : i32 to index
        %get3A_257 = arith.constant 336 : index
        %get3A_258 = tpu.vector_load %arg5[%get3A_256, %get3A_257] {strides = array<i32>} : memref<32x768xf32, #tpu.memory_space<vmem>>, vector<1x16xf32>,
        %get3A_259 = vector.shape_cast %get3A_258 : vector<1x16xf32> to vector<16xf32>
        %swap3A_260 = arith.index_cast %scan3A_67 : i32 to index
        %swap3A_261 = arith.constant 336 : index
        %swap3A_262 = tpu.vector_load %arg6[%swap3A_260, %swap3A_261] {strides = array<i32>} : memref<32x768xf32, #tpu.memory_space<vmem>>, vector<1x16xf32>,
        %swap3A_263 = vector.shape_cast %swap3A_262 : vector<1x16xf32> to vector<16xf32>
        %swap3A_264 = vector.shape_cast %get3A_259 : vector<16xf32> to vector<1x16xf32>
        tpu.vector_store %arg6[%swap3A_260, %swap3A_261], %swap3A_264 {add = true, strides = array<i32>} : memref<32x768xf32, #tpu.memory_space<vmem>>, vector<1x16xf32>,
        %get3A_265 = arith.index_cast %scan3A_67 : i32 to index
        %get3A_266 = arith.constant 352 : index
        %get3A_267 = tpu.vector_load %arg5[%get3A_265, %get3A_266] {strides = array<i32>} : memref<32x768xf32, #tpu.memory_space<vmem>>, vector<1x16xf32>,
        %get3A_268 = vector.shape_cast %get3A_267 : vector<1x16xf32> to vector<16xf32>
        %swap3A_269 = arith.index_cast %scan3A_67 : i32 to index
        %swap3A_270 = arith.constant 352 : index
        %swap3A_271 = tpu.vector_load %arg6[%swap3A_269, %swap3A_270] {strides = array<i32>} : memref<32x768xf32, #tpu.memory_space<vmem>>, vector<1x16xf32>,
        %swap3A_272 = vector.shape_cast %swap3A_271 : vector<1x16xf32> to vector<16xf32>
        %swap3A_273 = vector.shape_cast %get3A_268 : vector<16xf32> to vector<1x16xf32>
        tpu.vector_store %arg6[%swap3A_269, %swap3A_270], %swap3A_273 {add = true, strides = array<i32>} : memref<32x768xf32, #tpu.memory_space<vmem>>, vector<1x16xf32>,
        %get3A_274 = arith.index_cast %scan3A_67 : i32 to index
        %get3A_275 = arith.constant 368 : index
        %get3A_276 = tpu.vector_load %arg5[%get3A_274, %get3A_275] {strides = array<i32>} : memref<32x768xf32, #tpu.memory_space<vmem>>, vector<1x16xf32>,
        %get3A_277 = vector.shape_cast %get3A_276 : vector<1x16xf32> to vector<16xf32>
        %swap3A_278 = arith.index_cast %scan3A_67 : i32 to index
        %swap3A_279 = arith.constant 368 : index
        %swap3A_280 = tpu.vector_load %arg6[%swap3A_278, %swap3A_279] {strides = array<i32>} : memref<32x768xf32, #tpu.memory_space<vmem>>, vector<1x16xf32>,
        %swap3A_281 = vector.shape_cast %swap3A_280 : vector<1x16xf32> to vector<16xf32>
        %swap3A_282 = vector.shape_cast %get3A_277 : vector<16xf32> to vector<1x16xf32>
        tpu.vector_store %arg6[%swap3A_278, %swap3A_279], %swap3A_282 {add = true, strides = array<i32>} : memref<32x768xf32, #tpu.memory_space<vmem>>, vector<1x16xf32>,
        %get3A_283 = arith.index_cast %scan3A_67 : i32 to index
        %get3A_284 = arith.constant 384 : index
        %get3A_285 = tpu.vector_load %arg5[%get3A_283, %get3A_284] {strides = array<i32>} : memref<32x768xf32, #tpu.memory_space<vmem>>, vector<1x16xf32>,
        %get3A_286 = vector.shape_cast %get3A_285 : vector<1x16xf32> to vector<16xf32>
        %swap3A_287 = arith.index_cast %scan3A_67 : i32 to index
        %swap3A_288 = arith.constant 384 : index
        %swap3A_289 = tpu.vector_load %arg6[%swap3A_287, %swap3A_288] {strides = array<i32>} : memref<32x768xf32, #tpu.memory_space<vmem>>, vector<1x16xf32>,
        %swap3A_290 = vector.shape_cast %swap3A_289 : vector<1x16xf32> to vector<16xf32>
        %swap3A_291 = vector.shape_cast %get3A_286 : vector<16xf32> to vector<1x16xf32>
        tpu.vector_store %arg6[%swap3A_287, %swap3A_288], %swap3A_291 {add = true, strides = array<i32>} : memref<32x768xf32, #tpu.memory_space<vmem>>, vector<1x16xf32>,
        %get3A_292 = arith.index_cast %scan3A_67 : i32 to index
        %get3A_293 = arith.constant 400 : index
        %get3A_294 = tpu.vector_load %arg5[%get3A_292, %get3A_293] {strides = array<i32>} : memref<32x768xf32, #tpu.memory_space<vmem>>, vector<1x16xf32>,
        %get3A_295 = vector.shape_cast %get3A_294 : vector<1x16xf32> to vector<16xf32>
        %swap3A_296 = arith.index_cast %scan3A_67 : i32 to index
        %swap3A_297 = arith.constant 400 : index
        %swap3A_298 = tpu.vector_load %arg6[%swap3A_296, %swap3A_297] {strides = array<i32>} : memref<32x768xf32, #tpu.memory_space<vmem>>, vector<1x16xf32>,
        %swap3A_299 = vector.shape_cast %swap3A_298 : vector<1x16xf32> to vector<16xf32>
        %swap3A_300 = vector.shape_cast %get3A_295 : vector<16xf32> to vector<1x16xf32>
        tpu.vector_store %arg6[%swap3A_296, %swap3A_297], %swap3A_300 {add = true, strides = array<i32>} : memref<32x768xf32, #tpu.memory_space<vmem>>, vector<1x16xf32>,
        %get3A_301 = arith.index_cast %scan3A_67 : i32 to index
        %get3A_302 = arith.constant 416 : index
        %get3A_303 = tpu.vector_load %arg5[%get3A_301, %get3A_302] {strides = array<i32>} : memref<32x768xf32, #tpu.memory_space<vmem>>, vector<1x16xf32>,
        %get3A_304 = vector.shape_cast %get3A_303 : vector<1x16xf32> to vector<16xf32>
        %swap3A_305 = arith.index_cast %scan3A_67 : i32 to index
        %swap3A_306 = arith.constant 416 : index
        %swap3A_307 = tpu.vector_load %arg6[%swap3A_305, %swap3A_306] {strides = array<i32>} : memref<32x768xf32, #tpu.memory_space<vmem>>, vector<1x16xf32>,
        %swap3A_308 = vector.shape_cast %swap3A_307 : vector<1x16xf32> to vector<16xf32>
        %swap3A_309 = vector.shape_cast %get3A_304 : vector<16xf32> to vector<1x16xf32>
        tpu.vector_store %arg6[%swap3A_305, %swap3A_306], %swap3A_309 {add = true, strides = array<i32>} : memref<32x768xf32, #tpu.memory_space<vmem>>, vector<1x16xf32>,
        %get3A_310 = arith.index_cast %scan3A_67 : i32 to index
        %get3A_311 = arith.constant 432 : index
        %get3A_312 = tpu.vector_load %arg5[%get3A_310, %get3A_311] {strides = array<i32>} : memref<32x768xf32, #tpu.memory_space<vmem>>, vector<1x16xf32>,
        %get3A_313 = vector.shape_cast %get3A_312 : vector<1x16xf32> to vector<16xf32>
        %swap3A_314 = arith.index_cast %scan3A_67 : i32 to index
        %swap3A_315 = arith.constant 432 : index
        %swap3A_316 = tpu.vector_load %arg6[%swap3A_314, %swap3A_315] {strides = array<i32>} : memref<32x768xf32, #tpu.memory_space<vmem>>, vector<1x16xf32>,
        %swap3A_317 = vector.shape_cast %swap3A_316 : vector<1x16xf32> to vector<16xf32>
        %swap3A_318 = vector.shape_cast %get3A_313 : vector<16xf32> to vector<1x16xf32>
        tpu.vector_store %arg6[%swap3A_314, %swap3A_315], %swap3A_318 {add = true, strides = array<i32>} : memref<32x768xf32, #tpu.memory_space<vmem>>, vector<1x16xf32>,
        %get3A_319 = arith.index_cast %scan3A_67 : i32 to index
        %get3A_320 = arith.constant 448 : index
        %get3A_321 = tpu.vector_load %arg5[%get3A_319, %get3A_320] {strides = array<i32>} : memref<32x768xf32, #tpu.memory_space<vmem>>, vector<1x16xf32>,
        %get3A_322 = vector.shape_cast %get3A_321 : vector<1x16xf32> to vector<16xf32>
        %swap3A_323 = arith.index_cast %scan3A_67 : i32 to index
        %swap3A_324 = arith.constant 448 : index
        %swap3A_325 = tpu.vector_load %arg6[%swap3A_323, %swap3A_324] {strides = array<i32>} : memref<32x768xf32, #tpu.memory_space<vmem>>, vector<1x16xf32>,
        %swap3A_326 = vector.shape_cast %swap3A_325 : vector<1x16xf32> to vector<16xf32>
        %swap3A_327 = vector.shape_cast %get3A_322 : vector<16xf32> to vector<1x16xf32>
        tpu.vector_store %arg6[%swap3A_323, %swap3A_324], %swap3A_327 {add = true, strides = array<i32>} : memref<32x768xf32, #tpu.memory_space<vmem>>, vector<1x16xf32>,
        %get3A_328 = arith.index_cast %scan3A_67 : i32 to index
        %get3A_329 = arith.constant 464 : index
        %get3A_330 = tpu.vector_load %arg5[%get3A_328, %get3A_329] {strides = array<i32>} : memref<32x768xf32, #tpu.memory_space<vmem>>, vector<1x16xf32>,
        %get3A_331 = vector.shape_cast %get3A_330 : vector<1x16xf32> to vector<16xf32>
        %swap3A_332 = arith.index_cast %scan3A_67 : i32 to index
        %swap3A_333 = arith.constant 464 : index
        %swap3A_334 = tpu.vector_load %arg6[%swap3A_332, %swap3A_333] {strides = array<i32>} : memref<32x768xf32, #tpu.memory_space<vmem>>, vector<1x16xf32>,
        %swap3A_335 = vector.shape_cast %swap3A_334 : vector<1x16xf32> to vector<16xf32>
        %swap3A_336 = vector.shape_cast %get3A_331 : vector<16xf32> to vector<1x16xf32>
        tpu.vector_store %arg6[%swap3A_332, %swap3A_333], %swap3A_336 {add = true, strides = array<i32>} : memref<32x768xf32, #tpu.memory_space<vmem>>, vector<1x16xf32>,
        %get3A_337 = arith.index_cast %scan3A_67 : i32 to index
        %get3A_338 = arith.constant 480 : index
        %get3A_339 = tpu.vector_load %arg5[%get3A_337, %get3A_338] {strides = array<i32>} : memref<32x768xf32, #tpu.memory_space<vmem>>, vector<1x16xf32>,
        %get3A_340 = vector.shape_cast %get3A_339 : vector<1x16xf32> to vector<16xf32>
        %swap3A_341 = arith.index_cast %scan3A_67 : i32 to index
        %swap3A_342 = arith.constant 480 : index
        %swap3A_343 = tpu.vector_load %arg6[%swap3A_341, %swap3A_342] {strides = array<i32>} : memref<32x768xf32, #tpu.memory_space<vmem>>, vector<1x16xf32>,
        %swap3A_344 = vector.shape_cast %swap3A_343 : vector<1x16xf32> to vector<16xf32>
        %swap3A_345 = vector.shape_cast %get3A_340 : vector<16xf32> to vector<1x16xf32>
        tpu.vector_store %arg6[%swap3A_341, %swap3A_342], %swap3A_345 {add = true, strides = array<i32>} : memref<32x768xf32, #tpu.memory_space<vmem>>, vector<1x16xf32>,
        %get3A_346 = arith.index_cast %scan3A_67 : i32 to index
        %get3A_347 = arith.constant 496 : index
        %get3A_348 = tpu.vector_load %arg5[%get3A_346, %get3A_347] {strides = array<i32>} : memref<32x768xf32, #tpu.memory_space<vmem>>, vector<1x16xf32>,
        %get3A_349 = vector.shape_cast %get3A_348 : vector<1x16xf32> to vector<16xf32>
        %swap3A_350 = arith.index_cast %scan3A_67 : i32 to index
        %swap3A_351 = arith.constant 496 : index
        %swap3A_352 = tpu.vector_load %arg6[%swap3A_350, %swap3A_351] {strides = array<i32>} : memref<32x768xf32, #tpu.memory_space<vmem>>, vector<1x16xf32>,
        %swap3A_353 = vector.shape_cast %swap3A_352 : vector<1x16xf32> to vector<16xf32>
        %swap3A_354 = vector.shape_cast %get3A_349 : vector<16xf32> to vector<1x16xf32>
        tpu.vector_store %arg6[%swap3A_350, %swap3A_351], %swap3A_354 {add = true, strides = array<i32>} : memref<32x768xf32, #tpu.memory_space<vmem>>, vector<1x16xf32>,
        %get3A_355 = arith.index_cast %scan3A_67 : i32 to index
        %get3A_356 = arith.constant 512 : index
        %get3A_357 = tpu.vector_load %arg5[%get3A_355, %get3A_356] {strides = array<i32>} : memref<32x768xf32, #tpu.memory_space<vmem>>, vector<1x16xf32>,
        %get3A_358 = vector.shape_cast %get3A_357 : vector<1x16xf32> to vector<16xf32>
        %swap3A_359 = arith.index_cast %scan3A_67 : i32 to index
        %swap3A_360 = arith.constant 512 : index
        %swap3A_361 = tpu.vector_load %arg6[%swap3A_359, %swap3A_360] {strides = array<i32>} : memref<32x768xf32, #tpu.memory_space<vmem>>, vector<1x16xf32>,
        %swap3A_362 = vector.shape_cast %swap3A_361 : vector<1x16xf32> to vector<16xf32>
        %swap3A_363 = vector.shape_cast %get3A_358 : vector<16xf32> to vector<1x16xf32>
        tpu.vector_store %arg6[%swap3A_359, %swap3A_360], %swap3A_363 {add = true, strides = array<i32>} : memref<32x768xf32, #tpu.memory_space<vmem>>, vector<1x16xf32>,
        %get3A_364 = arith.index_cast %scan3A_67 : i32 to index
        %get3A_365 = arith.constant 528 : index
        %get3A_366 = tpu.vector_load %arg5[%get3A_364, %get3A_365] {strides = array<i32>} : memref<32x768xf32, #tpu.memory_space<vmem>>, vector<1x16xf32>,
        %get3A_367 = vector.shape_cast %get3A_366 : vector<1x16xf32> to vector<16xf32>
        %swap3A_368 = arith.index_cast %scan3A_67 : i32 to index
        %swap3A_369 = arith.constant 528 : index
        %swap3A_370 = tpu.vector_load %arg6[%swap3A_368, %swap3A_369] {strides = array<i32>} : memref<32x768xf32, #tpu.memory_space<vmem>>, vector<1x16xf32>,
        %swap3A_371 = vector.shape_cast %swap3A_370 : vector<1x16xf32> to vector<16xf32>
        %swap3A_372 = vector.shape_cast %get3A_367 : vector<16xf32> to vector<1x16xf32>
        tpu.vector_store %arg6[%swap3A_368, %swap3A_369], %swap3A_372 {add = true, strides = array<i32>} : memref<32x768xf32, #tpu.memory_space<vmem>>, vector<1x16xf32>,
        %get3A_373 = arith.index_cast %scan3A_67 : i32 to index
        %get3A_374 = arith.constant 544 : index
        %get3A_375 = tpu.vector_load %arg5[%get3A_373, %get3A_374] {strides = array<i32>} : memref<32x768xf32, #tpu.memory_space<vmem>>, vector<1x16xf32>,
        %get3A_376 = vector.shape_cast %get3A_375 : vector<1x16xf32> to vector<16xf32>
        %swap3A_377 = arith.index_cast %scan3A_67 : i32 to index
        %swap3A_378 = arith.constant 544 : index
        %swap3A_379 = tpu.vector_load %arg6[%swap3A_377, %swap3A_378] {strides = array<i32>} : memref<32x768xf32, #tpu.memory_space<vmem>>, vector<1x16xf32>,
        %swap3A_380 = vector.shape_cast %swap3A_379 : vector<1x16xf32> to vector<16xf32>
        %swap3A_381 = vector.shape_cast %get3A_376 : vector<16xf32> to vector<1x16xf32>
        tpu.vector_store %arg6[%swap3A_377, %swap3A_378], %swap3A_381 {add = true, strides = array<i32>} : memref<32x768xf32, #tpu.memory_space<vmem>>, vector<1x16xf32>,
        %get3A_382 = arith.index_cast %scan3A_67 : i32 to index
        %get3A_383 = arith.constant 560 : index
        %get3A_384 = tpu.vector_load %arg5[%get3A_382, %get3A_383] {strides = array<i32>} : memref<32x768xf32, #tpu.memory_space<vmem>>, vector<1x16xf32>,
        %get3A_385 = vector.shape_cast %get3A_384 : vector<1x16xf32> to vector<16xf32>
        %swap3A_386 = arith.index_cast %scan3A_67 : i32 to index
        %swap3A_387 = arith.constant 560 : index
        %swap3A_388 = tpu.vector_load %arg6[%swap3A_386, %swap3A_387] {strides = array<i32>} : memref<32x768xf32, #tpu.memory_space<vmem>>, vector<1x16xf32>,
        %swap3A_389 = vector.shape_cast %swap3A_388 : vector<1x16xf32> to vector<16xf32>
        %swap3A_390 = vector.shape_cast %get3A_385 : vector<16xf32> to vector<1x16xf32>
        tpu.vector_store %arg6[%swap3A_386, %swap3A_387], %swap3A_390 {add = true, strides = array<i32>} : memref<32x768xf32, #tpu.memory_space<vmem>>, vector<1x16xf32>,
        %get3A_391 = arith.index_cast %scan3A_67 : i32 to index
        %get3A_392 = arith.constant 576 : index
        %get3A_393 = tpu.vector_load %arg5[%get3A_391, %get3A_392] {strides = array<i32>} : memref<32x768xf32, #tpu.memory_space<vmem>>, vector<1x16xf32>,
        %get3A_394 = vector.shape_cast %get3A_393 : vector<1x16xf32> to vector<16xf32>
        %swap3A_395 = arith.index_cast %scan3A_67 : i32 to index
        %swap3A_396 = arith.constant 576 : index
        %swap3A_397 = tpu.vector_load %arg6[%swap3A_395, %swap3A_396] {strides = array<i32>} : memref<32x768xf32, #tpu.memory_space<vmem>>, vector<1x16xf32>,
        %swap3A_398 = vector.shape_cast %swap3A_397 : vector<1x16xf32> to vector<16xf32>
        %swap3A_399 = vector.shape_cast %get3A_394 : vector<16xf32> to vector<1x16xf32>
        tpu.vector_store %arg6[%swap3A_395, %swap3A_396], %swap3A_399 {add = true, strides = array<i32>} : memref<32x768xf32, #tpu.memory_space<vmem>>, vector<1x16xf32>,
        %get3A_400 = arith.index_cast %scan3A_67 : i32 to index
        %get3A_401 = arith.constant 592 : index
        %get3A_402 = tpu.vector_load %arg5[%get3A_400, %get3A_401] {strides = array<i32>} : memref<32x768xf32, #tpu.memory_space<vmem>>, vector<1x16xf32>,
        %get3A_403 = vector.shape_cast %get3A_402 : vector<1x16xf32> to vector<16xf32>
        %swap3A_404 = arith.index_cast %scan3A_67 : i32 to index
        %swap3A_405 = arith.constant 592 : index
        %swap3A_406 = tpu.vector_load %arg6[%swap3A_404, %swap3A_405] {strides = array<i32>} : memref<32x768xf32, #tpu.memory_space<vmem>>, vector<1x16xf32>,
        %swap3A_407 = vector.shape_cast %swap3A_406 : vector<1x16xf32> to vector<16xf32>
        %swap3A_408 = vector.shape_cast %get3A_403 : vector<16xf32> to vector<1x16xf32>
        tpu.vector_store %arg6[%swap3A_404, %swap3A_405], %swap3A_408 {add = true, strides = array<i32>} : memref<32x768xf32, #tpu.memory_space<vmem>>, vector<1x16xf32>,
        %get3A_409 = arith.index_cast %scan3A_67 : i32 to index
        %get3A_410 = arith.constant 608 : index
        %get3A_411 = tpu.vector_load %arg5[%get3A_409, %get3A_410] {strides = array<i32>} : memref<32x768xf32, #tpu.memory_space<vmem>>, vector<1x16xf32>,
        %get3A_412 = vector.shape_cast %get3A_411 : vector<1x16xf32> to vector<16xf32>
        %swap3A_413 = arith.index_cast %scan3A_67 : i32 to index
        %swap3A_414 = arith.constant 608 : index
        %swap3A_415 = tpu.vector_load %arg6[%swap3A_413, %swap3A_414] {strides = array<i32>} : memref<32x768xf32, #tpu.memory_space<vmem>>, vector<1x16xf32>,
        %swap3A_416 = vector.shape_cast %swap3A_415 : vector<1x16xf32> to vector<16xf32>
        %swap3A_417 = vector.shape_cast %get3A_412 : vector<16xf32> to vector<1x16xf32>
        tpu.vector_store %arg6[%swap3A_413, %swap3A_414], %swap3A_417 {add = true, strides = array<i32>} : memref<32x768xf32, #tpu.memory_space<vmem>>, vector<1x16xf32>,
        %get3A_418 = arith.index_cast %scan3A_67 : i32 to index
        %get3A_419 = arith.constant 624 : index
        %get3A_420 = tpu.vector_load %arg5[%get3A_418, %get3A_419] {strides = array<i32>} : memref<32x768xf32, #tpu.memory_space<vmem>>, vector<1x16xf32>,
        %get3A_421 = vector.shape_cast %get3A_420 : vector<1x16xf32> to vector<16xf32>
        %swap3A_422 = arith.index_cast %scan3A_67 : i32 to index
        %swap3A_423 = arith.constant 624 : index
        %swap3A_424 = tpu.vector_load %arg6[%swap3A_422, %swap3A_423] {strides = array<i32>} : memref<32x768xf32, #tpu.memory_space<vmem>>, vector<1x16xf32>,
        %swap3A_425 = vector.shape_cast %swap3A_424 : vector<1x16xf32> to vector<16xf32>
        %swap3A_426 = vector.shape_cast %get3A_421 : vector<16xf32> to vector<1x16xf32>
        tpu.vector_store %arg6[%swap3A_422, %swap3A_423], %swap3A_426 {add = true, strides = array<i32>} : memref<32x768xf32, #tpu.memory_space<vmem>>, vector<1x16xf32>,
        %get3A_427 = arith.index_cast %scan3A_67 : i32 to index
        %get3A_428 = arith.constant 640 : index
        %get3A_429 = tpu.vector_load %arg5[%get3A_427, %get3A_428] {strides = array<i32>} : memref<32x768xf32, #tpu.memory_space<vmem>>, vector<1x16xf32>,
        %get3A_430 = vector.shape_cast %get3A_429 : vector<1x16xf32> to vector<16xf32>
        %swap3A_431 = arith.index_cast %scan3A_67 : i32 to index
        %swap3A_432 = arith.constant 640 : index
        %swap3A_433 = tpu.vector_load %arg6[%swap3A_431, %swap3A_432] {strides = array<i32>} : memref<32x768xf32, #tpu.memory_space<vmem>>, vector<1x16xf32>,
        %swap3A_434 = vector.shape_cast %swap3A_433 : vector<1x16xf32> to vector<16xf32>
        %swap3A_435 = vector.shape_cast %get3A_430 : vector<16xf32> to vector<1x16xf32>
        tpu.vector_store %arg6[%swap3A_431, %swap3A_432], %swap3A_435 {add = true, strides = array<i32>} : memref<32x768xf32, #tpu.memory_space<vmem>>, vector<1x16xf32>,
        %get3A_436 = arith.index_cast %scan3A_67 : i32 to index
        %get3A_437 = arith.constant 656 : index
        %get3A_438 = tpu.vector_load %arg5[%get3A_436, %get3A_437] {strides = array<i32>} : memref<32x768xf32, #tpu.memory_space<vmem>>, vector<1x16xf32>,
        %get3A_439 = vector.shape_cast %get3A_438 : vector<1x16xf32> to vector<16xf32>
        %swap3A_440 = arith.index_cast %scan3A_67 : i32 to index
        %swap3A_441 = arith.constant 656 : index
        %swap3A_442 = tpu.vector_load %arg6[%swap3A_440, %swap3A_441] {strides = array<i32>} : memref<32x768xf32, #tpu.memory_space<vmem>>, vector<1x16xf32>,
        %swap3A_443 = vector.shape_cast %swap3A_442 : vector<1x16xf32> to vector<16xf32>
        %swap3A_444 = vector.shape_cast %get3A_439 : vector<16xf32> to vector<1x16xf32>
        tpu.vector_store %arg6[%swap3A_440, %swap3A_441], %swap3A_444 {add = true, strides = array<i32>} : memref<32x768xf32, #tpu.memory_space<vmem>>, vector<1x16xf32>,
        %get3A_445 = arith.index_cast %scan3A_67 : i32 to index
        %get3A_446 = arith.constant 672 : index
        %get3A_447 = tpu.vector_load %arg5[%get3A_445, %get3A_446] {strides = array<i32>} : memref<32x768xf32, #tpu.memory_space<vmem>>, vector<1x16xf32>,
        %get3A_448 = vector.shape_cast %get3A_447 : vector<1x16xf32> to vector<16xf32>
        %swap3A_449 = arith.index_cast %scan3A_67 : i32 to index
        %swap3A_450 = arith.constant 672 : index
        %swap3A_451 = tpu.vector_load %arg6[%swap3A_449, %swap3A_450] {strides = array<i32>} : memref<32x768xf32, #tpu.memory_space<vmem>>, vector<1x16xf32>,
        %swap3A_452 = vector.shape_cast %swap3A_451 : vector<1x16xf32> to vector<16xf32>
        %swap3A_453 = vector.shape_cast %get3A_448 : vector<16xf32> to vector<1x16xf32>
        tpu.vector_store %arg6[%swap3A_449, %swap3A_450], %swap3A_453 {add = true, strides = array<i32>} : memref<32x768xf32, #tpu.memory_space<vmem>>, vector<1x16xf32>,
        %get3A_454 = arith.index_cast %scan3A_67 : i32 to index
        %get3A_455 = arith.constant 688 : index
        %get3A_456 = tpu.vector_load %arg5[%get3A_454, %get3A_455] {strides = array<i32>} : memref<32x768xf32, #tpu.memory_space<vmem>>, vector<1x16xf32>,
        %get3A_457 = vector.shape_cast %get3A_456 : vector<1x16xf32> to vector<16xf32>
        %swap3A_458 = arith.index_cast %scan3A_67 : i32 to index
        %swap3A_459 = arith.constant 688 : index
        %swap3A_460 = tpu.vector_load %arg6[%swap3A_458, %swap3A_459] {strides = array<i32>} : memref<32x768xf32, #tpu.memory_space<vmem>>, vector<1x16xf32>,
        %swap3A_461 = vector.shape_cast %swap3A_460 : vector<1x16xf32> to vector<16xf32>
        %swap3A_462 = vector.shape_cast %get3A_457 : vector<16xf32> to vector<1x16xf32>
        tpu.vector_store %arg6[%swap3A_458, %swap3A_459], %swap3A_462 {add = true, strides = array<i32>} : memref<32x768xf32, #tpu.memory_space<vmem>>, vector<1x16xf32>,
        %get3A_463 = arith.index_cast %scan3A_67 : i32 to index
        %get3A_464 = arith.constant 704 : index
        %get3A_465 = tpu.vector_load %arg5[%get3A_463, %get3A_464] {strides = array<i32>} : memref<32x768xf32, #tpu.memory_space<vmem>>, vector<1x16xf32>,
        %get3A_466 = vector.shape_cast %get3A_465 : vector<1x16xf32> to vector<16xf32>
        %swap3A_467 = arith.index_cast %scan3A_67 : i32 to index
        %swap3A_468 = arith.constant 704 : index
        %swap3A_469 = tpu.vector_load %arg6[%swap3A_467, %swap3A_468] {strides = array<i32>} : memref<32x768xf32, #tpu.memory_space<vmem>>, vector<1x16xf32>,
        %swap3A_470 = vector.shape_cast %swap3A_469 : vector<1x16xf32> to vector<16xf32>
        %swap3A_471 = vector.shape_cast %get3A_466 : vector<16xf32> to vector<1x16xf32>
        tpu.vector_store %arg6[%swap3A_467, %swap3A_468], %swap3A_471 {add = true, strides = array<i32>} : memref<32x768xf32, #tpu.memory_space<vmem>>, vector<1x16xf32>,
        %get3A_472 = arith.index_cast %scan3A_67 : i32 to index
        %get3A_473 = arith.constant 720 : index
        %get3A_474 = tpu.vector_load %arg5[%get3A_472, %get3A_473] {strides = array<i32>} : memref<32x768xf32, #tpu.memory_space<vmem>>, vector<1x16xf32>,
        %get3A_475 = vector.shape_cast %get3A_474 : vector<1x16xf32> to vector<16xf32>
        %swap3A_476 = arith.index_cast %scan3A_67 : i32 to index
        %swap3A_477 = arith.constant 720 : index
        %swap3A_478 = tpu.vector_load %arg6[%swap3A_476, %swap3A_477] {strides = array<i32>} : memref<32x768xf32, #tpu.memory_space<vmem>>, vector<1x16xf32>,
        %swap3A_479 = vector.shape_cast %swap3A_478 : vector<1x16xf32> to vector<16xf32>
        %swap3A_480 = vector.shape_cast %get3A_475 : vector<16xf32> to vector<1x16xf32>
        tpu.vector_store %arg6[%swap3A_476, %swap3A_477], %swap3A_480 {add = true, strides = array<i32>} : memref<32x768xf32, #tpu.memory_space<vmem>>, vector<1x16xf32>,
        %get3A_481 = arith.index_cast %scan3A_67 : i32 to index
        %get3A_482 = arith.constant 736 : index
        %get3A_483 = tpu.vector_load %arg5[%get3A_481, %get3A_482] {strides = array<i32>} : memref<32x768xf32, #tpu.memory_space<vmem>>, vector<1x16xf32>,
        %get3A_484 = vector.shape_cast %get3A_483 : vector<1x16xf32> to vector<16xf32>
        %swap3A_485 = arith.index_cast %scan3A_67 : i32 to index
        %swap3A_486 = arith.constant 736 : index
        %swap3A_487 = tpu.vector_load %arg6[%swap3A_485, %swap3A_486] {strides = array<i32>} : memref<32x768xf32, #tpu.memory_space<vmem>>, vector<1x16xf32>,
        %swap3A_488 = vector.shape_cast %swap3A_487 : vector<1x16xf32> to vector<16xf32>
        %swap3A_489 = vector.shape_cast %get3A_484 : vector<16xf32> to vector<1x16xf32>
        tpu.vector_store %arg6[%swap3A_485, %swap3A_486], %swap3A_489 {add = true, strides = array<i32>} : memref<32x768xf32, #tpu.memory_space<vmem>>, vector<1x16xf32>,
        %get3A_490 = arith.index_cast %scan3A_67 : i32 to index
        %get3A_491 = arith.constant 752 : index
        %get3A_492 = tpu.vector_load %arg5[%get3A_490, %get3A_491] {strides = array<i32>} : memref<32x768xf32, #tpu.memory_space<vmem>>, vector<1x16xf32>,
        %get3A_493 = vector.shape_cast %get3A_492 : vector<1x16xf32> to vector<16xf32>
        %swap3A_494 = arith.index_cast %scan3A_67 : i32 to index
        %swap3A_495 = arith.constant 752 : index
        %swap3A_496 = tpu.vector_load %arg6[%swap3A_494, %swap3A_495] {strides = array<i32>} : memref<32x768xf32, #tpu.memory_space<vmem>>, vector<1x16xf32>,
        %swap3A_497 = vector.shape_cast %swap3A_496 : vector<1x16xf32> to vector<16xf32>
        %swap3A_498 = vector.shape_cast %get3A_493 : vector<16xf32> to vector<1x16xf32>
        tpu.vector_store %arg6[%swap3A_494, %swap3A_495], %swap3A_498 {add = true, strides = array<i32>} : memref<32x768xf32, #tpu.memory_space<vmem>>, vector<1x16xf32>,
        %scan3A_499 = arith.constant 0 : i32
        scf.yield %scan3A_499 : i32
      }
      %scan3A_34 = arith.constant 32 : i32
      %add3A_35 = arith.constant 0 : i32
      %add3A_36 = arith.addi %add3A_35, %add3A_13 : i32
      %dma_start3A_37 = arith.constant 0 : i32
      %dma_start3A_38 = tpu.memref_slice %arg4[%add3A_36, %dma_start3A_37] : memref<16384x768xf32, #tpu.memory_space<hbm>> -> memref<32x768xf32, #tpu.memory_space<hbm>>
      %dma_start3A_39 = arith.constant 0 : i32
      %dma_start3A_40 = tpu.memref_slice %arg4[%add3A_36, %dma_start3A_39] : memref<16384x768xf32, #tpu.memory_space<hbm>> -> memref<32x768xf32, #tpu.memory_space<hbm>>
      tpu.enqueue_dma source(%arg6 : memref<32x768xf32, #tpu.memory_space<vmem>>) target(%dma_start3A_40 : memref<32x768xf32, #tpu.memory_space<hbm>>) target_semaphore(%arg10 : memref<!tpu.dma_semaphore, #tpu.memory_space<semaphore_mem>>)
      %dma_wait3A_41 = arith.constant 0 : i32
      %dma_wait3A_42 = tpu.memref_slice %arg2[%add3A_20, %dma_wait3A_41] : memref<32768x768xf32, #tpu.memory_space<hbm>> -> memref<32x768xf32, #tpu.memory_space<hbm>>
      %dma_wait3A_43 = arith.constant 0 : i32
      %dma_wait3A_44 = tpu.memref_slice %arg2[%add3A_20, %dma_wait3A_43] : memref<32768x768xf32, #tpu.memory_space<hbm>> -> memref<32x768xf32, #tpu.memory_space<hbm>>
      tpu.wait_dma2 semaphore(%arg9 : memref<!tpu.dma_semaphore, #tpu.memory_space<semaphore_mem>>) src(%dma_wait3A_44 : memref<32x768xf32, #tpu.memory_space<hbm>>) dst(%arg7 : memref<32x768xf32, #tpu.memory_space<vmem>>)
      %scan3A_45 = arith.constant 0 : i32
      %scan3A_46 = arith.constant 0 : i32
      %scan3A_47 = arith.constant 32 : i32
      %scan3A_48 = arith.addi %scan3A_46, %scan3A_47 : i32
      %scan3A_49 = arith.constant 1 : i32
      %scan3A_50 = scf.for %scan3A_67 = %scan3A_46 to %scan3A_48 step %scan3A_49 iter_args(%scan3A_68 = %scan3A_45) -> (i32)  : i32 {
        %get3A = arith.index_cast %scan3A_67 : i32 to index
        %get3A_69 = arith.constant 0 : index
        %get3A_70 = tpu.vector_load %arg5[%get3A, %get3A_69] {strides = array<i32>} : memref<32x768xf32, #tpu.memory_space<vmem>>, vector<1x16xf32>,
        %get3A_71 = vector.shape_cast %get3A_70 : vector<1x16xf32> to vector<16xf32>
        %swap3A = arith.index_cast %scan3A_67 : i32 to index
        %swap3A_72 = arith.constant 0 : index
        %swap3A_73 = tpu.vector_load %arg7[%swap3A, %swap3A_72] {strides = array<i32>} : memref<32x768xf32, #tpu.memory_space<vmem>>, vector<1x16xf32>,
        %swap3A_74 = vector.shape_cast %swap3A_73 : vector<1x16xf32> to vector<16xf32>
        %swap3A_75 = vector.shape_cast %get3A_71 : vector<16xf32> to vector<1x16xf32>
        tpu.vector_store %arg7[%swap3A, %swap3A_72], %swap3A_75 {add = true, strides = array<i32>} : memref<32x768xf32, #tpu.memory_space<vmem>>, vector<1x16xf32>,
        %get3A_76 = arith.index_cast %scan3A_67 : i32 to index
        %get3A_77 = arith.constant 16 : index
        %get3A_78 = tpu.vector_load %arg5[%get3A_76, %get3A_77] {strides = array<i32>} : memref<32x768xf32, #tpu.memory_space<vmem>>, vector<1x16xf32>,
        %get3A_79 = vector.shape_cast %get3A_78 : vector<1x16xf32> to vector<16xf32>
        %swap3A_80 = arith.index_cast %scan3A_67 : i32 to index
        %swap3A_81 = arith.constant 16 : index
        %swap3A_82 = tpu.vector_load %arg7[%swap3A_80, %swap3A_81] {strides = array<i32>} : memref<32x768xf32, #tpu.memory_space<vmem>>, vector<1x16xf32>,
        %swap3A_83 = vector.shape_cast %swap3A_82 : vector<1x16xf32> to vector<16xf32>
        %swap3A_84 = vector.shape_cast %get3A_79 : vector<16xf32> to vector<1x16xf32>
        tpu.vector_store %arg7[%swap3A_80, %swap3A_81], %swap3A_84 {add = true, strides = array<i32>} : memref<32x768xf32, #tpu.memory_space<vmem>>, vector<1x16xf32>,
        %get3A_85 = arith.index_cast %scan3A_67 : i32 to index
        %get3A_86 = arith.constant 32 : index
        %get3A_87 = tpu.vector_load %arg5[%get3A_85, %get3A_86] {strides = array<i32>} : memref<32x768xf32, #tpu.memory_space<vmem>>, vector<1x16xf32>,
        %get3A_88 = vector.shape_cast %get3A_87 : vector<1x16xf32> to vector<16xf32>
        %swap3A_89 = arith.index_cast %scan3A_67 : i32 to index
        %swap3A_90 = arith.constant 32 : index
        %swap3A_91 = tpu.vector_load %arg7[%swap3A_89, %swap3A_90] {strides = array<i32>} : memref<32x768xf32, #tpu.memory_space<vmem>>, vector<1x16xf32>,
        %swap3A_92 = vector.shape_cast %swap3A_91 : vector<1x16xf32> to vector<16xf32>
        %swap3A_93 = vector.shape_cast %get3A_88 : vector<16xf32> to vector<1x16xf32>
        tpu.vector_store %arg7[%swap3A_89, %swap3A_90], %swap3A_93 {add = true, strides = array<i32>} : memref<32x768xf32, #tpu.memory_space<vmem>>, vector<1x16xf32>,
        %get3A_94 = arith.index_cast %scan3A_67 : i32 to index
        %get3A_95 = arith.constant 48 : index
        %get3A_96 = tpu.vector_load %arg5[%get3A_94, %get3A_95] {strides = array<i32>} : memref<32x768xf32, #tpu.memory_space<vmem>>, vector<1x16xf32>,
        %get3A_97 = vector.shape_cast %get3A_96 : vector<1x16xf32> to vector<16xf32>
        %swap3A_98 = arith.index_cast %scan3A_67 : i32 to index
        %swap3A_99 = arith.constant 48 : index
        %swap3A_100 = tpu.vector_load %arg7[%swap3A_98, %swap3A_99] {strides = array<i32>} : memref<32x768xf32, #tpu.memory_space<vmem>>, vector<1x16xf32>,
        %swap3A_101 = vector.shape_cast %swap3A_100 : vector<1x16xf32> to vector<16xf32>
        %swap3A_102 = vector.shape_cast %get3A_97 : vector<16xf32> to vector<1x16xf32>
        tpu.vector_store %arg7[%swap3A_98, %swap3A_99], %swap3A_102 {add = true, strides = array<i32>} : memref<32x768xf32, #tpu.memory_space<vmem>>, vector<1x16xf32>,
        %get3A_103 = arith.index_cast %scan3A_67 : i32 to index
        %get3A_104 = arith.constant 64 : index
        %get3A_105 = tpu.vector_load %arg5[%get3A_103, %get3A_104] {strides = array<i32>} : memref<32x768xf32, #tpu.memory_space<vmem>>, vector<1x16xf32>,
        %get3A_106 = vector.shape_cast %get3A_105 : vector<1x16xf32> to vector<16xf32>
        %swap3A_107 = arith.index_cast %scan3A_67 : i32 to index
        %swap3A_108 = arith.constant 64 : index
        %swap3A_109 = tpu.vector_load %arg7[%swap3A_107, %swap3A_108] {strides = array<i32>} : memref<32x768xf32, #tpu.memory_space<vmem>>, vector<1x16xf32>,
        %swap3A_110 = vector.shape_cast %swap3A_109 : vector<1x16xf32> to vector<16xf32>
        %swap3A_111 = vector.shape_cast %get3A_106 : vector<16xf32> to vector<1x16xf32>
        tpu.vector_store %arg7[%swap3A_107, %swap3A_108], %swap3A_111 {add = true, strides = array<i32>} : memref<32x768xf32, #tpu.memory_space<vmem>>, vector<1x16xf32>,
        %get3A_112 = arith.index_cast %scan3A_67 : i32 to index
        %get3A_113 = arith.constant 80 : index
        %get3A_114 = tpu.vector_load %arg5[%get3A_112, %get3A_113] {strides = array<i32>} : memref<32x768xf32, #tpu.memory_space<vmem>>, vector<1x16xf32>,
        %get3A_115 = vector.shape_cast %get3A_114 : vector<1x16xf32> to vector<16xf32>
        %swap3A_116 = arith.index_cast %scan3A_67 : i32 to index
        %swap3A_117 = arith.constant 80 : index
        %swap3A_118 = tpu.vector_load %arg7[%swap3A_116, %swap3A_117] {strides = array<i32>} : memref<32x768xf32, #tpu.memory_space<vmem>>, vector<1x16xf32>,
        %swap3A_119 = vector.shape_cast %swap3A_118 : vector<1x16xf32> to vector<16xf32>
        %swap3A_120 = vector.shape_cast %get3A_115 : vector<16xf32> to vector<1x16xf32>
        tpu.vector_store %arg7[%swap3A_116, %swap3A_117], %swap3A_120 {add = true, strides = array<i32>} : memref<32x768xf32, #tpu.memory_space<vmem>>, vector<1x16xf32>,
        %get3A_121 = arith.index_cast %scan3A_67 : i32 to index
        %get3A_122 = arith.constant 96 : index
        %get3A_123 = tpu.vector_load %arg5[%get3A_121, %get3A_122] {strides = array<i32>} : memref<32x768xf32, #tpu.memory_space<vmem>>, vector<1x16xf32>,
        %get3A_124 = vector.shape_cast %get3A_123 : vector<1x16xf32> to vector<16xf32>
        %swap3A_125 = arith.index_cast %scan3A_67 : i32 to index
        %swap3A_126 = arith.constant 96 : index
        %swap3A_127 = tpu.vector_load %arg7[%swap3A_125, %swap3A_126] {strides = array<i32>} : memref<32x768xf32, #tpu.memory_space<vmem>>, vector<1x16xf32>,
        %swap3A_128 = vector.shape_cast %swap3A_127 : vector<1x16xf32> to vector<16xf32>
        %swap3A_129 = vector.shape_cast %get3A_124 : vector<16xf32> to vector<1x16xf32>
        tpu.vector_store %arg7[%swap3A_125, %swap3A_126], %swap3A_129 {add = true, strides = array<i32>} : memref<32x768xf32, #tpu.memory_space<vmem>>, vector<1x16xf32>,
        %get3A_130 = arith.index_cast %scan3A_67 : i32 to index
        %get3A_131 = arith.constant 112 : index
        %get3A_132 = tpu.vector_load %arg5[%get3A_130, %get3A_131] {strides = array<i32>} : memref<32x768xf32, #tpu.memory_space<vmem>>, vector<1x16xf32>,
        %get3A_133 = vector.shape_cast %get3A_132 : vector<1x16xf32> to vector<16xf32>
        %swap3A_134 = arith.index_cast %scan3A_67 : i32 to index
        %swap3A_135 = arith.constant 112 : index
        %swap3A_136 = tpu.vector_load %arg7[%swap3A_134, %swap3A_135] {strides = array<i32>} : memref<32x768xf32, #tpu.memory_space<vmem>>, vector<1x16xf32>,
        %swap3A_137 = vector.shape_cast %swap3A_136 : vector<1x16xf32> to vector<16xf32>
        %swap3A_138 = vector.shape_cast %get3A_133 : vector<16xf32> to vector<1x16xf32>
        tpu.vector_store %arg7[%swap3A_134, %swap3A_135], %swap3A_138 {add = true, strides = array<i32>} : memref<32x768xf32, #tpu.memory_space<vmem>>, vector<1x16xf32>,
        %get3A_139 = arith.index_cast %scan3A_67 : i32 to index
        %get3A_140 = arith.constant 128 : index
        %get3A_141 = tpu.vector_load %arg5[%get3A_139, %get3A_140] {strides = array<i32>} : memref<32x768xf32, #tpu.memory_space<vmem>>, vector<1x16xf32>,
        %get3A_142 = vector.shape_cast %get3A_141 : vector<1x16xf32> to vector<16xf32>
        %swap3A_143 = arith.index_cast %scan3A_67 : i32 to index
        %swap3A_144 = arith.constant 128 : index
        %swap3A_145 = tpu.vector_load %arg7[%swap3A_143, %swap3A_144] {strides = array<i32>} : memref<32x768xf32, #tpu.memory_space<vmem>>, vector<1x16xf32>,
        %swap3A_146 = vector.shape_cast %swap3A_145 : vector<1x16xf32> to vector<16xf32>
        %swap3A_147 = vector.shape_cast %get3A_142 : vector<16xf32> to vector<1x16xf32>
        tpu.vector_store %arg7[%swap3A_143, %swap3A_144], %swap3A_147 {add = true, strides = array<i32>} : memref<32x768xf32, #tpu.memory_space<vmem>>, vector<1x16xf32>,
        %get3A_148 = arith.index_cast %scan3A_67 : i32 to index
        %get3A_149 = arith.constant 144 : index
        %get3A_150 = tpu.vector_load %arg5[%get3A_148, %get3A_149] {strides = array<i32>} : memref<32x768xf32, #tpu.memory_space<vmem>>, vector<1x16xf32>,
        %get3A_151 = vector.shape_cast %get3A_150 : vector<1x16xf32> to vector<16xf32>
        %swap3A_152 = arith.index_cast %scan3A_67 : i32 to index
        %swap3A_153 = arith.constant 144 : index
        %swap3A_154 = tpu.vector_load %arg7[%swap3A_152, %swap3A_153] {strides = array<i32>} : memref<32x768xf32, #tpu.memory_space<vmem>>, vector<1x16xf32>,
        %swap3A_155 = vector.shape_cast %swap3A_154 : vector<1x16xf32> to vector<16xf32>
        %swap3A_156 = vector.shape_cast %get3A_151 : vector<16xf32> to vector<1x16xf32>
        tpu.vector_store %arg7[%swap3A_152, %swap3A_153], %swap3A_156 {add = true, strides = array<i32>} : memref<32x768xf32, #tpu.memory_space<vmem>>, vector<1x16xf32>,
        %get3A_157 = arith.index_cast %scan3A_67 : i32 to index
        %get3A_158 = arith.constant 160 : index
        %get3A_159 = tpu.vector_load %arg5[%get3A_157, %get3A_158] {strides = array<i32>} : memref<32x768xf32, #tpu.memory_space<vmem>>, vector<1x16xf32>,
        %get3A_160 = vector.shape_cast %get3A_159 : vector<1x16xf32> to vector<16xf32>
        %swap3A_161 = arith.index_cast %scan3A_67 : i32 to index
        %swap3A_162 = arith.constant 160 : index
        %swap3A_163 = tpu.vector_load %arg7[%swap3A_161, %swap3A_162] {strides = array<i32>} : memref<32x768xf32, #tpu.memory_space<vmem>>, vector<1x16xf32>,
        %swap3A_164 = vector.shape_cast %swap3A_163 : vector<1x16xf32> to vector<16xf32>
        %swap3A_165 = vector.shape_cast %get3A_160 : vector<16xf32> to vector<1x16xf32>
        tpu.vector_store %arg7[%swap3A_161, %swap3A_162], %swap3A_165 {add = true, strides = array<i32>} : memref<32x768xf32, #tpu.memory_space<vmem>>, vector<1x16xf32>,
        %get3A_166 = arith.index_cast %scan3A_67 : i32 to index
        %get3A_167 = arith.constant 176 : index
        %get3A_168 = tpu.vector_load %arg5[%get3A_166, %get3A_167] {strides = array<i32>} : memref<32x768xf32, #tpu.memory_space<vmem>>, vector<1x16xf32>,
        %get3A_169 = vector.shape_cast %get3A_168 : vector<1x16xf32> to vector<16xf32>
        %swap3A_170 = arith.index_cast %scan3A_67 : i32 to index
        %swap3A_171 = arith.constant 176 : index
        %swap3A_172 = tpu.vector_load %arg7[%swap3A_170, %swap3A_171] {strides = array<i32>} : memref<32x768xf32, #tpu.memory_space<vmem>>, vector<1x16xf32>,
        %swap3A_173 = vector.shape_cast %swap3A_172 : vector<1x16xf32> to vector<16xf32>
        %swap3A_174 = vector.shape_cast %get3A_169 : vector<16xf32> to vector<1x16xf32>
        tpu.vector_store %arg7[%swap3A_170, %swap3A_171], %swap3A_174 {add = true, strides = array<i32>} : memref<32x768xf32, #tpu.memory_space<vmem>>, vector<1x16xf32>,
        %get3A_175 = arith.index_cast %scan3A_67 : i32 to index
        %get3A_176 = arith.constant 192 : index
        %get3A_177 = tpu.vector_load %arg5[%get3A_175, %get3A_176] {strides = array<i32>} : memref<32x768xf32, #tpu.memory_space<vmem>>, vector<1x16xf32>,
        %get3A_178 = vector.shape_cast %get3A_177 : vector<1x16xf32> to vector<16xf32>
        %swap3A_179 = arith.index_cast %scan3A_67 : i32 to index
        %swap3A_180 = arith.constant 192 : index
        %swap3A_181 = tpu.vector_load %arg7[%swap3A_179, %swap3A_180] {strides = array<i32>} : memref<32x768xf32, #tpu.memory_space<vmem>>, vector<1x16xf32>,
        %swap3A_182 = vector.shape_cast %swap3A_181 : vector<1x16xf32> to vector<16xf32>
        %swap3A_183 = vector.shape_cast %get3A_178 : vector<16xf32> to vector<1x16xf32>
        tpu.vector_store %arg7[%swap3A_179, %swap3A_180], %swap3A_183 {add = true, strides = array<i32>} : memref<32x768xf32, #tpu.memory_space<vmem>>, vector<1x16xf32>,
        %get3A_184 = arith.index_cast %scan3A_67 : i32 to index
        %get3A_185 = arith.constant 208 : index
        %get3A_186 = tpu.vector_load %arg5[%get3A_184, %get3A_185] {strides = array<i32>} : memref<32x768xf32, #tpu.memory_space<vmem>>, vector<1x16xf32>,
        %get3A_187 = vector.shape_cast %get3A_186 : vector<1x16xf32> to vector<16xf32>
        %swap3A_188 = arith.index_cast %scan3A_67 : i32 to index
        %swap3A_189 = arith.constant 208 : index
        %swap3A_190 = tpu.vector_load %arg7[%swap3A_188, %swap3A_189] {strides = array<i32>} : memref<32x768xf32, #tpu.memory_space<vmem>>, vector<1x16xf32>,
        %swap3A_191 = vector.shape_cast %swap3A_190 : vector<1x16xf32> to vector<16xf32>
        %swap3A_192 = vector.shape_cast %get3A_187 : vector<16xf32> to vector<1x16xf32>
        tpu.vector_store %arg7[%swap3A_188, %swap3A_189], %swap3A_192 {add = true, strides = array<i32>} : memref<32x768xf32, #tpu.memory_space<vmem>>, vector<1x16xf32>,
        %get3A_193 = arith.index_cast %scan3A_67 : i32 to index
        %get3A_194 = arith.constant 224 : index
        %get3A_195 = tpu.vector_load %arg5[%get3A_193, %get3A_194] {strides = array<i32>} : memref<32x768xf32, #tpu.memory_space<vmem>>, vector<1x16xf32>,
        %get3A_196 = vector.shape_cast %get3A_195 : vector<1x16xf32> to vector<16xf32>
        %swap3A_197 = arith.index_cast %scan3A_67 : i32 to index
        %swap3A_198 = arith.constant 224 : index
        %swap3A_199 = tpu.vector_load %arg7[%swap3A_197, %swap3A_198] {strides = array<i32>} : memref<32x768xf32, #tpu.memory_space<vmem>>, vector<1x16xf32>,
        %swap3A_200 = vector.shape_cast %swap3A_199 : vector<1x16xf32> to vector<16xf32>
        %swap3A_201 = vector.shape_cast %get3A_196 : vector<16xf32> to vector<1x16xf32>
        tpu.vector_store %arg7[%swap3A_197, %swap3A_198], %swap3A_201 {add = true, strides = array<i32>} : memref<32x768xf32, #tpu.memory_space<vmem>>, vector<1x16xf32>,
        %get3A_202 = arith.index_cast %scan3A_67 : i32 to index
        %get3A_203 = arith.constant 240 : index
        %get3A_204 = tpu.vector_load %arg5[%get3A_202, %get3A_203] {strides = array<i32>} : memref<32x768xf32, #tpu.memory_space<vmem>>, vector<1x16xf32>,
        %get3A_205 = vector.shape_cast %get3A_204 : vector<1x16xf32> to vector<16xf32>
        %swap3A_206 = arith.index_cast %scan3A_67 : i32 to index
        %swap3A_207 = arith.constant 240 : index
        %swap3A_208 = tpu.vector_load %arg7[%swap3A_206, %swap3A_207] {strides = array<i32>} : memref<32x768xf32, #tpu.memory_space<vmem>>, vector<1x16xf32>,
        %swap3A_209 = vector.shape_cast %swap3A_208 : vector<1x16xf32> to vector<16xf32>
        %swap3A_210 = vector.shape_cast %get3A_205 : vector<16xf32> to vector<1x16xf32>
        tpu.vector_store %arg7[%swap3A_206, %swap3A_207], %swap3A_210 {add = true, strides = array<i32>} : memref<32x768xf32, #tpu.memory_space<vmem>>, vector<1x16xf32>,
        %get3A_211 = arith.index_cast %scan3A_67 : i32 to index
        %get3A_212 = arith.constant 256 : index
        %get3A_213 = tpu.vector_load %arg5[%get3A_211, %get3A_212] {strides = array<i32>} : memref<32x768xf32, #tpu.memory_space<vmem>>, vector<1x16xf32>,
        %get3A_214 = vector.shape_cast %get3A_213 : vector<1x16xf32> to vector<16xf32>
        %swap3A_215 = arith.index_cast %scan3A_67 : i32 to index
        %swap3A_216 = arith.constant 256 : index
        %swap3A_217 = tpu.vector_load %arg7[%swap3A_215, %swap3A_216] {strides = array<i32>} : memref<32x768xf32, #tpu.memory_space<vmem>>, vector<1x16xf32>,
        %swap3A_218 = vector.shape_cast %swap3A_217 : vector<1x16xf32> to vector<16xf32>
        %swap3A_219 = vector.shape_cast %get3A_214 : vector<16xf32> to vector<1x16xf32>
        tpu.vector_store %arg7[%swap3A_215, %swap3A_216], %swap3A_219 {add = true, strides = array<i32>} : memref<32x768xf32, #tpu.memory_space<vmem>>, vector<1x16xf32>,
        %get3A_220 = arith.index_cast %scan3A_67 : i32 to index
        %get3A_221 = arith.constant 272 : index
        %get3A_222 = tpu.vector_load %arg5[%get3A_220, %get3A_221] {strides = array<i32>} : memref<32x768xf32, #tpu.memory_space<vmem>>, vector<1x16xf32>,
        %get3A_223 = vector.shape_cast %get3A_222 : vector<1x16xf32> to vector<16xf32>
        %swap3A_224 = arith.index_cast %scan3A_67 : i32 to index
        %swap3A_225 = arith.constant 272 : index
        %swap3A_226 = tpu.vector_load %arg7[%swap3A_224, %swap3A_225] {strides = array<i32>} : memref<32x768xf32, #tpu.memory_space<vmem>>, vector<1x16xf32>,
        %swap3A_227 = vector.shape_cast %swap3A_226 : vector<1x16xf32> to vector<16xf32>
        %swap3A_228 = vector.shape_cast %get3A_223 : vector<16xf32> to vector<1x16xf32>
        tpu.vector_store %arg7[%swap3A_224, %swap3A_225], %swap3A_228 {add = true, strides = array<i32>} : memref<32x768xf32, #tpu.memory_space<vmem>>, vector<1x16xf32>,
        %get3A_229 = arith.index_cast %scan3A_67 : i32 to index
        %get3A_230 = arith.constant 288 : index
        %get3A_231 = tpu.vector_load %arg5[%get3A_229, %get3A_230] {strides = array<i32>} : memref<32x768xf32, #tpu.memory_space<vmem>>, vector<1x16xf32>,
        %get3A_232 = vector.shape_cast %get3A_231 : vector<1x16xf32> to vector<16xf32>
        %swap3A_233 = arith.index_cast %scan3A_67 : i32 to index
        %swap3A_234 = arith.constant 288 : index
        %swap3A_235 = tpu.vector_load %arg7[%swap3A_233, %swap3A_234] {strides = array<i32>} : memref<32x768xf32, #tpu.memory_space<vmem>>, vector<1x16xf32>,
        %swap3A_236 = vector.shape_cast %swap3A_235 : vector<1x16xf32> to vector<16xf32>
        %swap3A_237 = vector.shape_cast %get3A_232 : vector<16xf32> to vector<1x16xf32>
        tpu.vector_store %arg7[%swap3A_233, %swap3A_234], %swap3A_237 {add = true, strides = array<i32>} : memref<32x768xf32, #tpu.memory_space<vmem>>, vector<1x16xf32>,
        %get3A_238 = arith.index_cast %scan3A_67 : i32 to index
        %get3A_239 = arith.constant 304 : index
        %get3A_240 = tpu.vector_load %arg5[%get3A_238, %get3A_239] {strides = array<i32>} : memref<32x768xf32, #tpu.memory_space<vmem>>, vector<1x16xf32>,
        %get3A_241 = vector.shape_cast %get3A_240 : vector<1x16xf32> to vector<16xf32>
        %swap3A_242 = arith.index_cast %scan3A_67 : i32 to index
        %swap3A_243 = arith.constant 304 : index
        %swap3A_244 = tpu.vector_load %arg7[%swap3A_242, %swap3A_243] {strides = array<i32>} : memref<32x768xf32, #tpu.memory_space<vmem>>, vector<1x16xf32>,
        %swap3A_245 = vector.shape_cast %swap3A_244 : vector<1x16xf32> to vector<16xf32>
        %swap3A_246 = vector.shape_cast %get3A_241 : vector<16xf32> to vector<1x16xf32>
        tpu.vector_store %arg7[%swap3A_242, %swap3A_243], %swap3A_246 {add = true, strides = array<i32>} : memref<32x768xf32, #tpu.memory_space<vmem>>, vector<1x16xf32>,
        %get3A_247 = arith.index_cast %scan3A_67 : i32 to index
        %get3A_248 = arith.constant 320 : index
        %get3A_249 = tpu.vector_load %arg5[%get3A_247, %get3A_248] {strides = array<i32>} : memref<32x768xf32, #tpu.memory_space<vmem>>, vector<1x16xf32>,
        %get3A_250 = vector.shape_cast %get3A_249 : vector<1x16xf32> to vector<16xf32>
        %swap3A_251 = arith.index_cast %scan3A_67 : i32 to index
        %swap3A_252 = arith.constant 320 : index
        %swap3A_253 = tpu.vector_load %arg7[%swap3A_251, %swap3A_252] {strides = array<i32>} : memref<32x768xf32, #tpu.memory_space<vmem>>, vector<1x16xf32>,
        %swap3A_254 = vector.shape_cast %swap3A_253 : vector<1x16xf32> to vector<16xf32>
        %swap3A_255 = vector.shape_cast %get3A_250 : vector<16xf32> to vector<1x16xf32>
        tpu.vector_store %arg7[%swap3A_251, %swap3A_252], %swap3A_255 {add = true, strides = array<i32>} : memref<32x768xf32, #tpu.memory_space<vmem>>, vector<1x16xf32>,
        %get3A_256 = arith.index_cast %scan3A_67 : i32 to index
        %get3A_257 = arith.constant 336 : index
        %get3A_258 = tpu.vector_load %arg5[%get3A_256, %get3A_257] {strides = array<i32>} : memref<32x768xf32, #tpu.memory_space<vmem>>, vector<1x16xf32>,
        %get3A_259 = vector.shape_cast %get3A_258 : vector<1x16xf32> to vector<16xf32>
        %swap3A_260 = arith.index_cast %scan3A_67 : i32 to index
        %swap3A_261 = arith.constant 336 : index
        %swap3A_262 = tpu.vector_load %arg7[%swap3A_260, %swap3A_261] {strides = array<i32>} : memref<32x768xf32, #tpu.memory_space<vmem>>, vector<1x16xf32>,
        %swap3A_263 = vector.shape_cast %swap3A_262 : vector<1x16xf32> to vector<16xf32>
        %swap3A_264 = vector.shape_cast %get3A_259 : vector<16xf32> to vector<1x16xf32>
        tpu.vector_store %arg7[%swap3A_260, %swap3A_261], %swap3A_264 {add = true, strides = array<i32>} : memref<32x768xf32, #tpu.memory_space<vmem>>, vector<1x16xf32>,
        %get3A_265 = arith.index_cast %scan3A_67 : i32 to index
        %get3A_266 = arith.constant 352 : index
        %get3A_267 = tpu.vector_load %arg5[%get3A_265, %get3A_266] {strides = array<i32>} : memref<32x768xf32, #tpu.memory_space<vmem>>, vector<1x16xf32>,
        %get3A_268 = vector.shape_cast %get3A_267 : vector<1x16xf32> to vector<16xf32>
        %swap3A_269 = arith.index_cast %scan3A_67 : i32 to index
        %swap3A_270 = arith.constant 352 : index
        %swap3A_271 = tpu.vector_load %arg7[%swap3A_269, %swap3A_270] {strides = array<i32>} : memref<32x768xf32, #tpu.memory_space<vmem>>, vector<1x16xf32>,
        %swap3A_272 = vector.shape_cast %swap3A_271 : vector<1x16xf32> to vector<16xf32>
        %swap3A_273 = vector.shape_cast %get3A_268 : vector<16xf32> to vector<1x16xf32>
        tpu.vector_store %arg7[%swap3A_269, %swap3A_270], %swap3A_273 {add = true, strides = array<i32>} : memref<32x768xf32, #tpu.memory_space<vmem>>, vector<1x16xf32>,
        %get3A_274 = arith.index_cast %scan3A_67 : i32 to index
        %get3A_275 = arith.constant 368 : index
        %get3A_276 = tpu.vector_load %arg5[%get3A_274, %get3A_275] {strides = array<i32>} : memref<32x768xf32, #tpu.memory_space<vmem>>, vector<1x16xf32>,
        %get3A_277 = vector.shape_cast %get3A_276 : vector<1x16xf32> to vector<16xf32>
        %swap3A_278 = arith.index_cast %scan3A_67 : i32 to index
        %swap3A_279 = arith.constant 368 : index
        %swap3A_280 = tpu.vector_load %arg7[%swap3A_278, %swap3A_279] {strides = array<i32>} : memref<32x768xf32, #tpu.memory_space<vmem>>, vector<1x16xf32>,
        %swap3A_281 = vector.shape_cast %swap3A_280 : vector<1x16xf32> to vector<16xf32>
        %swap3A_282 = vector.shape_cast %get3A_277 : vector<16xf32> to vector<1x16xf32>
        tpu.vector_store %arg7[%swap3A_278, %swap3A_279], %swap3A_282 {add = true, strides = array<i32>} : memref<32x768xf32, #tpu.memory_space<vmem>>, vector<1x16xf32>,
        %get3A_283 = arith.index_cast %scan3A_67 : i32 to index
        %get3A_284 = arith.constant 384 : index
        %get3A_285 = tpu.vector_load %arg5[%get3A_283, %get3A_284] {strides = array<i32>} : memref<32x768xf32, #tpu.memory_space<vmem>>, vector<1x16xf32>,
        %get3A_286 = vector.shape_cast %get3A_285 : vector<1x16xf32> to vector<16xf32>
        %swap3A_287 = arith.index_cast %scan3A_67 : i32 to index
        %swap3A_288 = arith.constant 384 : index
        %swap3A_289 = tpu.vector_load %arg7[%swap3A_287, %swap3A_288] {strides = array<i32>} : memref<32x768xf32, #tpu.memory_space<vmem>>, vector<1x16xf32>,
        %swap3A_290 = vector.shape_cast %swap3A_289 : vector<1x16xf32> to vector<16xf32>
        %swap3A_291 = vector.shape_cast %get3A_286 : vector<16xf32> to vector<1x16xf32>
        tpu.vector_store %arg7[%swap3A_287, %swap3A_288], %swap3A_291 {add = true, strides = array<i32>} : memref<32x768xf32, #tpu.memory_space<vmem>>, vector<1x16xf32>,
        %get3A_292 = arith.index_cast %scan3A_67 : i32 to index
        %get3A_293 = arith.constant 400 : index
        %get3A_294 = tpu.vector_load %arg5[%get3A_292, %get3A_293] {strides = array<i32>} : memref<32x768xf32, #tpu.memory_space<vmem>>, vector<1x16xf32>,
        %get3A_295 = vector.shape_cast %get3A_294 : vector<1x16xf32> to vector<16xf32>
        %swap3A_296 = arith.index_cast %scan3A_67 : i32 to index
        %swap3A_297 = arith.constant 400 : index
        %swap3A_298 = tpu.vector_load %arg7[%swap3A_296, %swap3A_297] {strides = array<i32>} : memref<32x768xf32, #tpu.memory_space<vmem>>, vector<1x16xf32>,
        %swap3A_299 = vector.shape_cast %swap3A_298 : vector<1x16xf32> to vector<16xf32>
        %swap3A_300 = vector.shape_cast %get3A_295 : vector<16xf32> to vector<1x16xf32>
        tpu.vector_store %arg7[%swap3A_296, %swap3A_297], %swap3A_300 {add = true, strides = array<i32>} : memref<32x768xf32, #tpu.memory_space<vmem>>, vector<1x16xf32>,
        %get3A_301 = arith.index_cast %scan3A_67 : i32 to index
        %get3A_302 = arith.constant 416 : index
        %get3A_303 = tpu.vector_load %arg5[%get3A_301, %get3A_302] {strides = array<i32>} : memref<32x768xf32, #tpu.memory_space<vmem>>, vector<1x16xf32>,
        %get3A_304 = vector.shape_cast %get3A_303 : vector<1x16xf32> to vector<16xf32>
        %swap3A_305 = arith.index_cast %scan3A_67 : i32 to index
        %swap3A_306 = arith.constant 416 : index
        %swap3A_307 = tpu.vector_load %arg7[%swap3A_305, %swap3A_306] {strides = array<i32>} : memref<32x768xf32, #tpu.memory_space<vmem>>, vector<1x16xf32>,
        %swap3A_308 = vector.shape_cast %swap3A_307 : vector<1x16xf32> to vector<16xf32>
        %swap3A_309 = vector.shape_cast %get3A_304 : vector<16xf32> to vector<1x16xf32>
        tpu.vector_store %arg7[%swap3A_305, %swap3A_306], %swap3A_309 {add = true, strides = array<i32>} : memref<32x768xf32, #tpu.memory_space<vmem>>, vector<1x16xf32>,
        %get3A_310 = arith.index_cast %scan3A_67 : i32 to index
        %get3A_311 = arith.constant 432 : index
        %get3A_312 = tpu.vector_load %arg5[%get3A_310, %get3A_311] {strides = array<i32>} : memref<32x768xf32, #tpu.memory_space<vmem>>, vector<1x16xf32>,
        %get3A_313 = vector.shape_cast %get3A_312 : vector<1x16xf32> to vector<16xf32>
        %swap3A_314 = arith.index_cast %scan3A_67 : i32 to index
        %swap3A_315 = arith.constant 432 : index
        %swap3A_316 = tpu.vector_load %arg7[%swap3A_314, %swap3A_315] {strides = array<i32>} : memref<32x768xf32, #tpu.memory_space<vmem>>, vector<1x16xf32>,
        %swap3A_317 = vector.shape_cast %swap3A_316 : vector<1x16xf32> to vector<16xf32>
        %swap3A_318 = vector.shape_cast %get3A_313 : vector<16xf32> to vector<1x16xf32>
        tpu.vector_store %arg7[%swap3A_314, %swap3A_315], %swap3A_318 {add = true, strides = array<i32>} : memref<32x768xf32, #tpu.memory_space<vmem>>, vector<1x16xf32>,
        %get3A_319 = arith.index_cast %scan3A_67 : i32 to index
        %get3A_320 = arith.constant 448 : index
        %get3A_321 = tpu.vector_load %arg5[%get3A_319, %get3A_320] {strides = array<i32>} : memref<32x768xf32, #tpu.memory_space<vmem>>, vector<1x16xf32>,
        %get3A_322 = vector.shape_cast %get3A_321 : vector<1x16xf32> to vector<16xf32>
        %swap3A_323 = arith.index_cast %scan3A_67 : i32 to index
        %swap3A_324 = arith.constant 448 : index
        %swap3A_325 = tpu.vector_load %arg7[%swap3A_323, %swap3A_324] {strides = array<i32>} : memref<32x768xf32, #tpu.memory_space<vmem>>, vector<1x16xf32>,
        %swap3A_326 = vector.shape_cast %swap3A_325 : vector<1x16xf32> to vector<16xf32>
        %swap3A_327 = vector.shape_cast %get3A_322 : vector<16xf32> to vector<1x16xf32>
        tpu.vector_store %arg7[%swap3A_323, %swap3A_324], %swap3A_327 {add = true, strides = array<i32>} : memref<32x768xf32, #tpu.memory_space<vmem>>, vector<1x16xf32>,
        %get3A_328 = arith.index_cast %scan3A_67 : i32 to index
        %get3A_329 = arith.constant 464 : index
        %get3A_330 = tpu.vector_load %arg5[%get3A_328, %get3A_329] {strides = array<i32>} : memref<32x768xf32, #tpu.memory_space<vmem>>, vector<1x16xf32>,
        %get3A_331 = vector.shape_cast %get3A_330 : vector<1x16xf32> to vector<16xf32>
        %swap3A_332 = arith.index_cast %scan3A_67 : i32 to index
        %swap3A_333 = arith.constant 464 : index
        %swap3A_334 = tpu.vector_load %arg7[%swap3A_332, %swap3A_333] {strides = array<i32>} : memref<32x768xf32, #tpu.memory_space<vmem>>, vector<1x16xf32>,
        %swap3A_335 = vector.shape_cast %swap3A_334 : vector<1x16xf32> to vector<16xf32>
        %swap3A_336 = vector.shape_cast %get3A_331 : vector<16xf32> to vector<1x16xf32>
        tpu.vector_store %arg7[%swap3A_332, %swap3A_333], %swap3A_336 {add = true, strides = array<i32>} : memref<32x768xf32, #tpu.memory_space<vmem>>, vector<1x16xf32>,
        %get3A_337 = arith.index_cast %scan3A_67 : i32 to index
        %get3A_338 = arith.constant 480 : index
        %get3A_339 = tpu.vector_load %arg5[%get3A_337, %get3A_338] {strides = array<i32>} : memref<32x768xf32, #tpu.memory_space<vmem>>, vector<1x16xf32>,
        %get3A_340 = vector.shape_cast %get3A_339 : vector<1x16xf32> to vector<16xf32>
        %swap3A_341 = arith.index_cast %scan3A_67 : i32 to index
        %swap3A_342 = arith.constant 480 : index
        %swap3A_343 = tpu.vector_load %arg7[%swap3A_341, %swap3A_342] {strides = array<i32>} : memref<32x768xf32, #tpu.memory_space<vmem>>, vector<1x16xf32>,
        %swap3A_344 = vector.shape_cast %swap3A_343 : vector<1x16xf32> to vector<16xf32>
        %swap3A_345 = vector.shape_cast %get3A_340 : vector<16xf32> to vector<1x16xf32>
        tpu.vector_store %arg7[%swap3A_341, %swap3A_342], %swap3A_345 {add = true, strides = array<i32>} : memref<32x768xf32, #tpu.memory_space<vmem>>, vector<1x16xf32>,
        %get3A_346 = arith.index_cast %scan3A_67 : i32 to index
        %get3A_347 = arith.constant 496 : index
        %get3A_348 = tpu.vector_load %arg5[%get3A_346, %get3A_347] {strides = array<i32>} : memref<32x768xf32, #tpu.memory_space<vmem>>, vector<1x16xf32>,
        %get3A_349 = vector.shape_cast %get3A_348 : vector<1x16xf32> to vector<16xf32>
        %swap3A_350 = arith.index_cast %scan3A_67 : i32 to index
        %swap3A_351 = arith.constant 496 : index
        %swap3A_352 = tpu.vector_load %arg7[%swap3A_350, %swap3A_351] {strides = array<i32>} : memref<32x768xf32, #tpu.memory_space<vmem>>, vector<1x16xf32>,
        %swap3A_353 = vector.shape_cast %swap3A_352 : vector<1x16xf32> to vector<16xf32>
        %swap3A_354 = vector.shape_cast %get3A_349 : vector<16xf32> to vector<1x16xf32>
        tpu.vector_store %arg7[%swap3A_350, %swap3A_351], %swap3A_354 {add = true, strides = array<i32>} : memref<32x768xf32, #tpu.memory_space<vmem>>, vector<1x16xf32>,
        %get3A_355 = arith.index_cast %scan3A_67 : i32 to index
        %get3A_356 = arith.constant 512 : index
        %get3A_357 = tpu.vector_load %arg5[%get3A_355, %get3A_356] {strides = array<i32>} : memref<32x768xf32, #tpu.memory_space<vmem>>, vector<1x16xf32>,
        %get3A_358 = vector.shape_cast %get3A_357 : vector<1x16xf32> to vector<16xf32>
        %swap3A_359 = arith.index_cast %scan3A_67 : i32 to index
        %swap3A_360 = arith.constant 512 : index
        %swap3A_361 = tpu.vector_load %arg7[%swap3A_359, %swap3A_360] {strides = array<i32>} : memref<32x768xf32, #tpu.memory_space<vmem>>, vector<1x16xf32>,
        %swap3A_362 = vector.shape_cast %swap3A_361 : vector<1x16xf32> to vector<16xf32>
        %swap3A_363 = vector.shape_cast %get3A_358 : vector<16xf32> to vector<1x16xf32>
        tpu.vector_store %arg7[%swap3A_359, %swap3A_360], %swap3A_363 {add = true, strides = array<i32>} : memref<32x768xf32, #tpu.memory_space<vmem>>, vector<1x16xf32>,
        %get3A_364 = arith.index_cast %scan3A_67 : i32 to index
        %get3A_365 = arith.constant 528 : index
        %get3A_366 = tpu.vector_load %arg5[%get3A_364, %get3A_365] {strides = array<i32>} : memref<32x768xf32, #tpu.memory_space<vmem>>, vector<1x16xf32>,
        %get3A_367 = vector.shape_cast %get3A_366 : vector<1x16xf32> to vector<16xf32>
        %swap3A_368 = arith.index_cast %scan3A_67 : i32 to index
        %swap3A_369 = arith.constant 528 : index
        %swap3A_370 = tpu.vector_load %arg7[%swap3A_368, %swap3A_369] {strides = array<i32>} : memref<32x768xf32, #tpu.memory_space<vmem>>, vector<1x16xf32>,
        %swap3A_371 = vector.shape_cast %swap3A_370 : vector<1x16xf32> to vector<16xf32>
        %swap3A_372 = vector.shape_cast %get3A_367 : vector<16xf32> to vector<1x16xf32>
        tpu.vector_store %arg7[%swap3A_368, %swap3A_369], %swap3A_372 {add = true, strides = array<i32>} : memref<32x768xf32, #tpu.memory_space<vmem>>, vector<1x16xf32>,
        %get3A_373 = arith.index_cast %scan3A_67 : i32 to index
        %get3A_374 = arith.constant 544 : index
        %get3A_375 = tpu.vector_load %arg5[%get3A_373, %get3A_374] {strides = array<i32>} : memref<32x768xf32, #tpu.memory_space<vmem>>, vector<1x16xf32>,
        %get3A_376 = vector.shape_cast %get3A_375 : vector<1x16xf32> to vector<16xf32>
        %swap3A_377 = arith.index_cast %scan3A_67 : i32 to index
        %swap3A_378 = arith.constant 544 : index
        %swap3A_379 = tpu.vector_load %arg7[%swap3A_377, %swap3A_378] {strides = array<i32>} : memref<32x768xf32, #tpu.memory_space<vmem>>, vector<1x16xf32>,
        %swap3A_380 = vector.shape_cast %swap3A_379 : vector<1x16xf32> to vector<16xf32>
        %swap3A_381 = vector.shape_cast %get3A_376 : vector<16xf32> to vector<1x16xf32>
        tpu.vector_store %arg7[%swap3A_377, %swap3A_378], %swap3A_381 {add = true, strides = array<i32>} : memref<32x768xf32, #tpu.memory_space<vmem>>, vector<1x16xf32>,
        %get3A_382 = arith.index_cast %scan3A_67 : i32 to index
        %get3A_383 = arith.constant 560 : index
        %get3A_384 = tpu.vector_load %arg5[%get3A_382, %get3A_383] {strides = array<i32>} : memref<32x768xf32, #tpu.memory_space<vmem>>, vector<1x16xf32>,
        %get3A_385 = vector.shape_cast %get3A_384 : vector<1x16xf32> to vector<16xf32>
        %swap3A_386 = arith.index_cast %scan3A_67 : i32 to index
        %swap3A_387 = arith.constant 560 : index
        %swap3A_388 = tpu.vector_load %arg7[%swap3A_386, %swap3A_387] {strides = array<i32>} : memref<32x768xf32, #tpu.memory_space<vmem>>, vector<1x16xf32>,
        %swap3A_389 = vector.shape_cast %swap3A_388 : vector<1x16xf32> to vector<16xf32>
        %swap3A_390 = vector.shape_cast %get3A_385 : vector<16xf32> to vector<1x16xf32>
        tpu.vector_store %arg7[%swap3A_386, %swap3A_387], %swap3A_390 {add = true, strides = array<i32>} : memref<32x768xf32, #tpu.memory_space<vmem>>, vector<1x16xf32>,
        %get3A_391 = arith.index_cast %scan3A_67 : i32 to index
        %get3A_392 = arith.constant 576 : index
        %get3A_393 = tpu.vector_load %arg5[%get3A_391, %get3A_392] {strides = array<i32>} : memref<32x768xf32, #tpu.memory_space<vmem>>, vector<1x16xf32>,
        %get3A_394 = vector.shape_cast %get3A_393 : vector<1x16xf32> to vector<16xf32>
        %swap3A_395 = arith.index_cast %scan3A_67 : i32 to index
        %swap3A_396 = arith.constant 576 : index
        %swap3A_397 = tpu.vector_load %arg7[%swap3A_395, %swap3A_396] {strides = array<i32>} : memref<32x768xf32, #tpu.memory_space<vmem>>, vector<1x16xf32>,
        %swap3A_398 = vector.shape_cast %swap3A_397 : vector<1x16xf32> to vector<16xf32>
        %swap3A_399 = vector.shape_cast %get3A_394 : vector<16xf32> to vector<1x16xf32>
        tpu.vector_store %arg7[%swap3A_395, %swap3A_396], %swap3A_399 {add = true, strides = array<i32>} : memref<32x768xf32, #tpu.memory_space<vmem>>, vector<1x16xf32>,
        %get3A_400 = arith.index_cast %scan3A_67 : i32 to index
        %get3A_401 = arith.constant 592 : index
        %get3A_402 = tpu.vector_load %arg5[%get3A_400, %get3A_401] {strides = array<i32>} : memref<32x768xf32, #tpu.memory_space<vmem>>, vector<1x16xf32>,
        %get3A_403 = vector.shape_cast %get3A_402 : vector<1x16xf32> to vector<16xf32>
        %swap3A_404 = arith.index_cast %scan3A_67 : i32 to index
        %swap3A_405 = arith.constant 592 : index
        %swap3A_406 = tpu.vector_load %arg7[%swap3A_404, %swap3A_405] {strides = array<i32>} : memref<32x768xf32, #tpu.memory_space<vmem>>, vector<1x16xf32>,
        %swap3A_407 = vector.shape_cast %swap3A_406 : vector<1x16xf32> to vector<16xf32>
        %swap3A_408 = vector.shape_cast %get3A_403 : vector<16xf32> to vector<1x16xf32>
        tpu.vector_store %arg7[%swap3A_404, %swap3A_405], %swap3A_408 {add = true, strides = array<i32>} : memref<32x768xf32, #tpu.memory_space<vmem>>, vector<1x16xf32>,
        %get3A_409 = arith.index_cast %scan3A_67 : i32 to index
        %get3A_410 = arith.constant 608 : index
        %get3A_411 = tpu.vector_load %arg5[%get3A_409, %get3A_410] {strides = array<i32>} : memref<32x768xf32, #tpu.memory_space<vmem>>, vector<1x16xf32>,
        %get3A_412 = vector.shape_cast %get3A_411 : vector<1x16xf32> to vector<16xf32>
        %swap3A_413 = arith.index_cast %scan3A_67 : i32 to index
        %swap3A_414 = arith.constant 608 : index
        %swap3A_415 = tpu.vector_load %arg7[%swap3A_413, %swap3A_414] {strides = array<i32>} : memref<32x768xf32, #tpu.memory_space<vmem>>, vector<1x16xf32>,
        %swap3A_416 = vector.shape_cast %swap3A_415 : vector<1x16xf32> to vector<16xf32>
        %swap3A_417 = vector.shape_cast %get3A_412 : vector<16xf32> to vector<1x16xf32>
        tpu.vector_store %arg7[%swap3A_413, %swap3A_414], %swap3A_417 {add = true, strides = array<i32>} : memref<32x768xf32, #tpu.memory_space<vmem>>, vector<1x16xf32>,
        %get3A_418 = arith.index_cast %scan3A_67 : i32 to index
        %get3A_419 = arith.constant 624 : index
        %get3A_420 = tpu.vector_load %arg5[%get3A_418, %get3A_419] {strides = array<i32>} : memref<32x768xf32, #tpu.memory_space<vmem>>, vector<1x16xf32>,
        %get3A_421 = vector.shape_cast %get3A_420 : vector<1x16xf32> to vector<16xf32>
        %swap3A_422 = arith.index_cast %scan3A_67 : i32 to index
        %swap3A_423 = arith.constant 624 : index
        %swap3A_424 = tpu.vector_load %arg7[%swap3A_422, %swap3A_423] {strides = array<i32>} : memref<32x768xf32, #tpu.memory_space<vmem>>, vector<1x16xf32>,
        %swap3A_425 = vector.shape_cast %swap3A_424 : vector<1x16xf32> to vector<16xf32>
        %swap3A_426 = vector.shape_cast %get3A_421 : vector<16xf32> to vector<1x16xf32>
        tpu.vector_store %arg7[%swap3A_422, %swap3A_423], %swap3A_426 {add = true, strides = array<i32>} : memref<32x768xf32, #tpu.memory_space<vmem>>, vector<1x16xf32>,
        %get3A_427 = arith.index_cast %scan3A_67 : i32 to index
        %get3A_428 = arith.constant 640 : index
        %get3A_429 = tpu.vector_load %arg5[%get3A_427, %get3A_428] {strides = array<i32>} : memref<32x768xf32, #tpu.memory_space<vmem>>, vector<1x16xf32>,
        %get3A_430 = vector.shape_cast %get3A_429 : vector<1x16xf32> to vector<16xf32>
        %swap3A_431 = arith.index_cast %scan3A_67 : i32 to index
        %swap3A_432 = arith.constant 640 : index
        %swap3A_433 = tpu.vector_load %arg7[%swap3A_431, %swap3A_432] {strides = array<i32>} : memref<32x768xf32, #tpu.memory_space<vmem>>, vector<1x16xf32>,
        %swap3A_434 = vector.shape_cast %swap3A_433 : vector<1x16xf32> to vector<16xf32>
        %swap3A_435 = vector.shape_cast %get3A_430 : vector<16xf32> to vector<1x16xf32>
        tpu.vector_store %arg7[%swap3A_431, %swap3A_432], %swap3A_435 {add = true, strides = array<i32>} : memref<32x768xf32, #tpu.memory_space<vmem>>, vector<1x16xf32>,
        %get3A_436 = arith.index_cast %scan3A_67 : i32 to index
        %get3A_437 = arith.constant 656 : index
        %get3A_438 = tpu.vector_load %arg5[%get3A_436, %get3A_437] {strides = array<i32>} : memref<32x768xf32, #tpu.memory_space<vmem>>, vector<1x16xf32>,
        %get3A_439 = vector.shape_cast %get3A_438 : vector<1x16xf32> to vector<16xf32>
        %swap3A_440 = arith.index_cast %scan3A_67 : i32 to index
        %swap3A_441 = arith.constant 656 : index
        %swap3A_442 = tpu.vector_load %arg7[%swap3A_440, %swap3A_441] {strides = array<i32>} : memref<32x768xf32, #tpu.memory_space<vmem>>, vector<1x16xf32>,
        %swap3A_443 = vector.shape_cast %swap3A_442 : vector<1x16xf32> to vector<16xf32>
        %swap3A_444 = vector.shape_cast %get3A_439 : vector<16xf32> to vector<1x16xf32>
        tpu.vector_store %arg7[%swap3A_440, %swap3A_441], %swap3A_444 {add = true, strides = array<i32>} : memref<32x768xf32, #tpu.memory_space<vmem>>, vector<1x16xf32>,
        %get3A_445 = arith.index_cast %scan3A_67 : i32 to index
        %get3A_446 = arith.constant 672 : index
        %get3A_447 = tpu.vector_load %arg5[%get3A_445, %get3A_446] {strides = array<i32>} : memref<32x768xf32, #tpu.memory_space<vmem>>, vector<1x16xf32>,
        %get3A_448 = vector.shape_cast %get3A_447 : vector<1x16xf32> to vector<16xf32>
        %swap3A_449 = arith.index_cast %scan3A_67 : i32 to index
        %swap3A_450 = arith.constant 672 : index
        %swap3A_451 = tpu.vector_load %arg7[%swap3A_449, %swap3A_450] {strides = array<i32>} : memref<32x768xf32, #tpu.memory_space<vmem>>, vector<1x16xf32>,
        %swap3A_452 = vector.shape_cast %swap3A_451 : vector<1x16xf32> to vector<16xf32>
        %swap3A_453 = vector.shape_cast %get3A_448 : vector<16xf32> to vector<1x16xf32>
        tpu.vector_store %arg7[%swap3A_449, %swap3A_450], %swap3A_453 {add = true, strides = array<i32>} : memref<32x768xf32, #tpu.memory_space<vmem>>, vector<1x16xf32>,
        %get3A_454 = arith.index_cast %scan3A_67 : i32 to index
        %get3A_455 = arith.constant 688 : index
        %get3A_456 = tpu.vector_load %arg5[%get3A_454, %get3A_455] {strides = array<i32>} : memref<32x768xf32, #tpu.memory_space<vmem>>, vector<1x16xf32>,
        %get3A_457 = vector.shape_cast %get3A_456 : vector<1x16xf32> to vector<16xf32>
        %swap3A_458 = arith.index_cast %scan3A_67 : i32 to index
        %swap3A_459 = arith.constant 688 : index
        %swap3A_460 = tpu.vector_load %arg7[%swap3A_458, %swap3A_459] {strides = array<i32>} : memref<32x768xf32, #tpu.memory_space<vmem>>, vector<1x16xf32>,
        %swap3A_461 = vector.shape_cast %swap3A_460 : vector<1x16xf32> to vector<16xf32>
        %swap3A_462 = vector.shape_cast %get3A_457 : vector<16xf32> to vector<1x16xf32>
        tpu.vector_store %arg7[%swap3A_458, %swap3A_459], %swap3A_462 {add = true, strides = array<i32>} : memref<32x768xf32, #tpu.memory_space<vmem>>, vector<1x16xf32>,
        %get3A_463 = arith.index_cast %scan3A_67 : i32 to index
        %get3A_464 = arith.constant 704 : index
        %get3A_465 = tpu.vector_load %arg5[%get3A_463, %get3A_464] {strides = array<i32>} : memref<32x768xf32, #tpu.memory_space<vmem>>, vector<1x16xf32>,
        %get3A_466 = vector.shape_cast %get3A_465 : vector<1x16xf32> to vector<16xf32>
        %swap3A_467 = arith.index_cast %scan3A_67 : i32 to index
        %swap3A_468 = arith.constant 704 : index
        %swap3A_469 = tpu.vector_load %arg7[%swap3A_467, %swap3A_468] {strides = array<i32>} : memref<32x768xf32, #tpu.memory_space<vmem>>, vector<1x16xf32>,
        %swap3A_470 = vector.shape_cast %swap3A_469 : vector<1x16xf32> to vector<16xf32>
        %swap3A_471 = vector.shape_cast %get3A_466 : vector<16xf32> to vector<1x16xf32>
        tpu.vector_store %arg7[%swap3A_467, %swap3A_468], %swap3A_471 {add = true, strides = array<i32>} : memref<32x768xf32, #tpu.memory_space<vmem>>, vector<1x16xf32>,
        %get3A_472 = arith.index_cast %scan3A_67 : i32 to index
        %get3A_473 = arith.constant 720 : index
        %get3A_474 = tpu.vector_load %arg5[%get3A_472, %get3A_473] {strides = array<i32>} : memref<32x768xf32, #tpu.memory_space<vmem>>, vector<1x16xf32>,
        %get3A_475 = vector.shape_cast %get3A_474 : vector<1x16xf32> to vector<16xf32>
        %swap3A_476 = arith.index_cast %scan3A_67 : i32 to index
        %swap3A_477 = arith.constant 720 : index
        %swap3A_478 = tpu.vector_load %arg7[%swap3A_476, %swap3A_477] {strides = array<i32>} : memref<32x768xf32, #tpu.memory_space<vmem>>, vector<1x16xf32>,
        %swap3A_479 = vector.shape_cast %swap3A_478 : vector<1x16xf32> to vector<16xf32>
        %swap3A_480 = vector.shape_cast %get3A_475 : vector<16xf32> to vector<1x16xf32>
        tpu.vector_store %arg7[%swap3A_476, %swap3A_477], %swap3A_480 {add = true, strides = array<i32>} : memref<32x768xf32, #tpu.memory_space<vmem>>, vector<1x16xf32>,
        %get3A_481 = arith.index_cast %scan3A_67 : i32 to index
        %get3A_482 = arith.constant 736 : index
        %get3A_483 = tpu.vector_load %arg5[%get3A_481, %get3A_482] {strides = array<i32>} : memref<32x768xf32, #tpu.memory_space<vmem>>, vector<1x16xf32>,
        %get3A_484 = vector.shape_cast %get3A_483 : vector<1x16xf32> to vector<16xf32>
        %swap3A_485 = arith.index_cast %scan3A_67 : i32 to index
        %swap3A_486 = arith.constant 736 : index
        %swap3A_487 = tpu.vector_load %arg7[%swap3A_485, %swap3A_486] {strides = array<i32>} : memref<32x768xf32, #tpu.memory_space<vmem>>, vector<1x16xf32>,
        %swap3A_488 = vector.shape_cast %swap3A_487 : vector<1x16xf32> to vector<16xf32>
        %swap3A_489 = vector.shape_cast %get3A_484 : vector<16xf32> to vector<1x16xf32>
        tpu.vector_store %arg7[%swap3A_485, %swap3A_486], %swap3A_489 {add = true, strides = array<i32>} : memref<32x768xf32, #tpu.memory_space<vmem>>, vector<1x16xf32>,
        %get3A_490 = arith.index_cast %scan3A_67 : i32 to index
        %get3A_491 = arith.constant 752 : index
        %get3A_492 = tpu.vector_load %arg5[%get3A_490, %get3A_491] {strides = array<i32>} : memref<32x768xf32, #tpu.memory_space<vmem>>, vector<1x16xf32>,
        %get3A_493 = vector.shape_cast %get3A_492 : vector<1x16xf32> to vector<16xf32>
        %swap3A_494 = arith.index_cast %scan3A_67 : i32 to index
        %swap3A_495 = arith.constant 752 : index
        %swap3A_496 = tpu.vector_load %arg7[%swap3A_494, %swap3A_495] {strides = array<i32>} : memref<32x768xf32, #tpu.memory_space<vmem>>, vector<1x16xf32>,
        %swap3A_497 = vector.shape_cast %swap3A_496 : vector<1x16xf32> to vector<16xf32>
        %swap3A_498 = vector.shape_cast %get3A_493 : vector<16xf32> to vector<1x16xf32>
        tpu.vector_store %arg7[%swap3A_494, %swap3A_495], %swap3A_498 {add = true, strides = array<i32>} : memref<32x768xf32, #tpu.memory_space<vmem>>, vector<1x16xf32>,
        %scan3A_499 = arith.constant 0 : i32
        scf.yield %scan3A_499 : i32
      }
      %scan3A_51 = arith.constant 32 : i32
      %add3A_52 = arith.constant 8192 : i32
      %add3A_53 = arith.addi %add3A_52, %add3A_13 : i32
      %dma_start3A_54 = arith.constant 0 : i32
      %dma_start3A_55 = tpu.memref_slice %arg4[%add3A_53, %dma_start3A_54] : memref<16384x768xf32, #tpu.memory_space<hbm>> -> memref<32x768xf32, #tpu.memory_space<hbm>>
      %dma_start3A_56 = arith.constant 0 : i32
      %dma_start3A_57 = tpu.memref_slice %arg4[%add3A_53, %dma_start3A_56] : memref<16384x768xf32, #tpu.memory_space<hbm>> -> memref<32x768xf32, #tpu.memory_space<hbm>>
      tpu.enqueue_dma source(%arg7 : memref<32x768xf32, #tpu.memory_space<vmem>>) target(%dma_start3A_57 : memref<32x768xf32, #tpu.memory_space<hbm>>) target_semaphore(%arg11 : memref<!tpu.dma_semaphore, #tpu.memory_space<semaphore_mem>>)
      %dma_wait3A_58 = arith.constant 0 : i32
      %dma_wait3A_59 = tpu.memref_slice %arg4[%add3A_36, %dma_wait3A_58] : memref<16384x768xf32, #tpu.memory_space<hbm>> -> memref<32x768xf32, #tpu.memory_space<hbm>>
      %dma_wait3A_60 = arith.constant 0 : i32
      %dma_wait3A_61 = tpu.memref_slice %arg4[%add3A_36, %dma_wait3A_60] : memref<16384x768xf32, #tpu.memory_space<hbm>> -> memref<32x768xf32, #tpu.memory_space<hbm>>
      tpu.wait_dma2 semaphore(%arg10 : memref<!tpu.dma_semaphore, #tpu.memory_space<semaphore_mem>>) src(%arg6 : memref<32x768xf32, #tpu.memory_space<vmem>>) dst(%dma_wait3A_61 : memref<32x768xf32, #tpu.memory_space<hbm>>)
      %dma_wait3A_62 = arith.constant 0 : i32
      %dma_wait3A_63 = tpu.memref_slice %arg4[%add3A_53, %dma_wait3A_62] : memref<16384x768xf32, #tpu.memory_space<hbm>> -> memref<32x768xf32, #tpu.memory_space<hbm>>
      %dma_wait3A_64 = arith.constant 0 : i32
      %dma_wait3A_65 = tpu.memref_slice %arg4[%add3A_53, %dma_wait3A_64] : memref<16384x768xf32, #tpu.memory_space<hbm>> -> memref<32x768xf32, #tpu.memory_space<hbm>>
      tpu.wait_dma2 semaphore(%arg11 : memref<!tpu.dma_semaphore, #tpu.memory_space<semaphore_mem>>) src(%arg7 : memref<32x768xf32, #tpu.memory_space<vmem>>) dst(%dma_wait3A_65 : memref<32x768xf32, #tpu.memory_space<hbm>>)
      %scan3A_66 = arith.constant 0 : i32
      scf.yield %scan3A_66 : i32
    }
    %scan3A_8 = arith.constant 8 : i32
    return
  }
}

module attributes {stable_mosaic.version = 14 : i64} {
  func.func @_tc_body(%arg0: i32, %arg1: i32, %arg2: memref<512x768xf32, #tpu.memory_space<vmem>>, %arg3: memref<512x768xf32, #tpu.memory_space<vmem>>, %arg4: memref<512x768xf32, #tpu.memory_space<vmem>>) attributes {dimension_semantics = [#tpu.dimension_semantics<arbitrary>, #tpu.dimension_semantics<arbitrary>], iteration_bounds = array<i64: 16, 2>, scalar_prefetch = 0 : i64, scratch_operands = 0 : i64, tpu.core_type = #tpu.core_type<tc>, window_params = [{transform_indices = @transform_0, window_bounds = array<i64: 512, 768>}, {transform_indices = @transform_1, window_bounds = array<i64: 512, 768>}, {transform_indices = @transform_2, window_bounds = array<i64: 512, 768>}]} {
    %get3A = arith.constant 0 : index
    %get3A_0 = arith.constant 0 : index
    %get3A_1 = vector.load %arg2[%get3A, %get3A_0] : memref<512x768xf32, #tpu.memory_space<vmem>>, vector<512x768xf32>
    %get3A_2 = arith.constant 0 : index
    %get3A_3 = arith.constant 0 : index
    %get3A_4 = vector.load %arg3[%get3A_2, %get3A_3] : memref<512x768xf32, #tpu.memory_space<vmem>>, vector<512x768xf32>
    %add3A = arith.addf %get3A_1, %get3A_4 : vector<512x768xf32>
    %swap3A = arith.constant 0 : index
    %swap3A_5 = arith.constant 0 : index
    %swap3A_6 = vector.load %arg4[%swap3A, %swap3A_5] : memref<512x768xf32, #tpu.memory_space<vmem>>, vector<512x768xf32>
    tpu.vector_store %arg4[%swap3A, %swap3A_5], %add3A {strides = array<i32>} : memref<512x768xf32, #tpu.memory_space<vmem>>, vector<512x768xf32>,
    return
  }
  func.func @transform_0(%arg0: i32, %arg1: i32) -> (i32, i32) {
    %mul3A = arith.constant 16 : i32
    %mul3A_0 = arith.muli %arg1, %mul3A : i32
    %add3A = arith.addi %mul3A_0, %arg0 : i32
    %c0_i32 = arith.constant 0 : i32
    %c0_i32_1 = arith.constant 0 : i32
    return %add3A, %c0_i32 : i32, i32
  }
  func.func @transform_1(%arg0: i32, %arg1: i32) -> (i32, i32) {
    %c0_i32 = arith.constant 0 : i32
    %c0_i32_0 = arith.constant 0 : i32
    return %arg0, %c0_i32 : i32, i32
  }
  func.func @transform_2(%arg0: i32, %arg1: i32) -> (i32, i32) {
    %mul3A = arith.constant 16 : i32
    %mul3A_0 = arith.muli %arg1, %mul3A : i32
    %add3A = arith.addi %mul3A_0, %arg0 : i32
    %c0_i32 = arith.constant 0 : i32
    %c0_i32_1 = arith.constant 0 : i32
    return %add3A, %c0_i32 : i32, i32
  }
}

</mosaic_0001>

<sc_bundles>
// kernel: kernel.4.cloned.1.call-start
scs
__scs_entry_jumppad:
0x0: {  	(pc) =	sbr.rel $0x88, $3  }
0x1: {  	(tag) =	ssettag $0x0;
	lr =	simm.s32 $0x1  }
0x2: {  	[smem:$0x3F9F] =	sst lr;
	_ =	strace $0xD0000000  }
0x3: {  	_ = 	snop  }
0x4: {  	_ = 	snop  }
0x5: {  	_ = 	snop  }
0x6: {  	_ = 	snop  }
0x7: {  	_ = 	snop  }
__scs_overlays_trampoline_lowered:
0x8: {  	[smem:$0x3FAE] =	sst s0  }
0x9: {  	[smem:$0x3FAF] =	sst s1  }
0xa: {  	[smem:$0x3FB0] =	sst s2  }
0xb: {  	[smem:$0x3FB1] =	sst s3  }
0xc: {  	[smem:$0x3FB2] =	sst s4  }
0xd: {  	[smem:$0x3FB3] =	sst s5  }
0xe: {  	[smem:$0x3FB4] =	sst s6  }
0xf: {  	[smem:$0x3FB5] =	sst s7  }
0x10: {  	[smem:$0x3FB6] =	sst s8  }
0x11: {  	[smem:$0x3FB7] =	sst s9;
	s0 =	simm.s32 @!p0 $0x0  }
0x12: {  	s1 =	sld [smem:$0x3F9D];
	s0 =	simm.s32 @p0 $0x1  }
0x13: {  	[smem:$0x3FB8] =	sst s0;
	s0 =	simm.s32 @!p1 $0x0  }
0x14: {  	s2 =	sld [smem:$0x3F9C];
	s0 =	simm.s32 @p1 $0x1  }
0x15: {  	[smem:$0x3FB9] =	sst s0;
	s0 =	simm.s32 @!p2 $0x0  }
0x16: {  	s3 =	sld [smem:$0x3FDB];
	s0 =	simm.s32 @p2 $0x1  }
0x17: {  	s4 =	simm.s32 $0x1BF5;
	[smem:$0x3FBB] =	sst s0  }
0x18: {  	s0 =	sld [smem:$0x3F9E];
	_ =	swait.ge [sflag:s4], $0x0  }
0x19: {  	s7 =	sld [smem:$0x3F9F]  }
0x1a: {  	s8 =	sadd.s32 $0xFFFFE003, lr  }
0x1b: {  	s9 =	sadd.s32 $0xFFFFFEF7, lr;
	s5 =	simm.s32 $0xFFFFFFFF;
	p2 =	slt.u32 s8, $0xFFFFF086  }
0x1c: {  	p1 =	slt.u32 s9, $0xF7A;
	s5 =	simm.s32 @!p2 $0x0  }
0x1d: {  	s5 =	simm.s32 @p1 $0x1;
	p0 =	seq.s32 s7, s2  }
0x1e: {  	s7 =	smul.u32 @!p0 $0xF7A, s2;
	p2 =	seq.s32 @!p0 s5, $0x0  }
0x1f: {  	s9 =	smul.u32 $0xF7A, s1;
	s8 =	simm.s32 @!p0 $0x1BF5;
	p2 =	por !p2, p0  }
0x20: {  	[sflag:s8] =	ssyncset.s32 @!p0 $0xFFFFF086;
	s6 =	sadd.s32 @!p0 s3, s7;
	s7 =	simm.s32 @!p0 $0x108  }
0x21: {  	s3 =	sadd.s32 s3, s9;
	s6 =	sadd.s32 @!p0 $0x88, s6;
	s7 =	simm.s32 @p2 $0x1082  }
0x22: {  	[simem:s7], [sflag:s8] =	dma.local @!p0 [hbm:s6], $0xF7A  }
0x23: {  	s9 =	sor.u32 $0xD0000000, s2;
	s6 =	simm.s32 $0x108;
	_ =	swait.ge @!p0 [sflag:s8], $0x0  }
0x24: {  	s3 =	sadd.s32 $0x88, s3;
	s6 =	simm.s32 @!p1 $0x1082;
	[sflag:s4] =	ssyncset.s32 $0xFFFFF086  }
0x25: {  	[simem:s6], [sflag:s4] =	dma.local [hbm:s3], $0xF7A  }
0x26: {  	[smem:$0x3F9F] =	sst s1;
	(tag) =	ssettag s2;
	_ =	strace s9  }
0x27: {  	s1 =	sld [smem:$0x3FAF]  }
0x28: {  	s2 =	sld [smem:$0x3FB0]  }
0x29: {  	s4 =	sld [smem:$0x3FB2]  }
0x2a: {  	p0 =	seq.s32 s5, $0x0;
	s5 =	sld [smem:$0x3FB3]  }
0x2b: {  	s6 =	sld [smem:$0x3FB4]  }
0x2c: {  	s7 =	sld [smem:$0x3FB5]  }
0x2d: {  	s3 =	simm.s32 $0x108;
	s8 =	sld [smem:$0x3FB6]  }
0x2e: {  	s3 =	simm.s32 @!p0 $0x1082;
	s9 =	sld [smem:$0x3FB7]  }
0x2f: {  	lr =	sadd.s32 s0, s3;
	s0 =	sld [smem:$0x3FAE]  }
0x30: {  	s3 =	sld [smem:$0x3FB1]  }
0x31: {  	[smem:$0x3FBA] =	sst s10  }
0x32: {  	s10 =	sld [smem:$0x3FB8];
	_ =	sdelay $0x3  }
0x33: {  	p0 =	seq.s32 s10, $0x1;
	s10 =	sld [smem:$0x3FBA];
	_ =	sdelay $0x3  }
0x34: {  	[smem:$0x3FBA] =	sst s10  }
0x35: {  	s10 =	sld [smem:$0x3FB9];
	_ =	sdelay $0x3  }
0x36: {  	p1 =	seq.s32 s10, $0x1;
	s10 =	sld [smem:$0x3FBA];
	_ =	sdelay $0x3  }
0x37: {  	[smem:$0x3FBA] =	sst s10  }
0x38: {  	s10 =	sld [smem:$0x3FBB]  }
0x39: {  	_ = 	snop;
	(pc) =	sbr.ind lr, $3  }
0x3a: {  	_ = 	snop  }
0x3b: {  	_ = 	snop  }
0x3c: {  	p2 =	seq.s32 s10, $0x1;
	s10 =	sld [smem:$0x3FBA]  }
0x3d: {  	_ =	shalt  }
0x3e: {  	_ =	shalt  }
0x3f: {  	_ =	shalt  }
0x40: {  	_ =	shalt  }
0x41: {  	_ =	shalt  }
0x42: {  	_ =	shalt  }
0x43: {  	_ =	shalt  }
0x44: {  	_ =	shalt  }
0x45: {  	_ =	shalt  }
0x46: {  	_ =	shalt  }
0x47: {  	_ =	shalt  }
0x48: {  	_ =	shalt  }
0x49: {  	_ =	shalt  }
0x4a: {  	_ =	shalt  }
0x4b: {  	_ =	shalt  }
0x4c: {  	_ =	shalt  }
0x4d: {  	_ =	shalt  }
0x4e: {  	_ =	shalt  }
0x4f: {  	_ =	shalt  }
0x50: {  	_ =	shalt  }
0x51: {  	_ =	shalt  }
0x52: {  	_ =	shalt  }
0x53: {  	_ =	shalt  }
0x54: {  	_ =	shalt  }
0x55: {  	_ =	shalt  }
0x56: {  	_ =	shalt  }
0x57: {  	_ =	shalt  }
0x58: {  	_ =	shalt  }
0x59: {  	_ =	shalt  }
0x5a: {  	_ =	shalt  }
0x5b: {  	_ =	shalt  }
0x5c: {  	_ =	shalt  }
0x5d: {  	_ =	shalt  }
0x5e: {  	_ =	shalt  }
0x5f: {  	_ =	shalt  }
0x60: {  	_ =	shalt  }
0x61: {  	_ =	shalt  }
0x62: {  	_ =	shalt  }
0x63: {  	_ =	shalt  }
0x64: {  	_ =	shalt  }
0x65: {  	_ =	shalt  }
0x66: {  	_ =	shalt  }
0x67: {  	_ =	shalt  }
0x68: {  	_ =	shalt  }
0x69: {  	_ =	shalt  }
0x6a: {  	_ =	shalt  }
0x6b: {  	_ =	shalt  }
0x6c: {  	_ =	shalt  }
0x6d: {  	_ =	shalt  }
0x6e: {  	_ =	shalt  }
0x6f: {  	_ =	shalt  }
0x70: {  	_ =	shalt  }
0x71: {  	_ =	shalt  }
0x72: {  	_ =	shalt  }
0x73: {  	_ =	shalt  }
0x74: {  	_ =	shalt  }
0x75: {  	_ =	shalt  }
0x76: {  	_ =	shalt  }
0x77: {  	_ =	shalt  }
0x78: {  	_ =	shalt  }
0x79: {  	_ =	shalt  }
0x7a: {  	_ =	shalt  }
0x7b: {  	_ =	shalt  }
0x7c: {  	_ =	shalt  }
0x7d: {  	_ =	shalt  }
0x7e: {  	_ =	shalt  }
0x7f: {  	_ =	shalt  }
0x80: {  	_ =	shalt  }
0x81: {  	_ =	shalt  }
0x82: {  	_ =	shalt  }
0x83: {  	_ =	shalt  }
0x84: {  	_ =	shalt  }
0x85: {  	_ =	shalt  }
0x86: {  	_ =	shalt  }
0x87: {  	_ =	shalt  }
.Lfunc_end0:
.L_simem_size_0:
called_computation_lowered:
.L_overlay_start_0:
0x88: {  	s2 =	sld [smem:$0x3FD9]  }
0x89: {  	s3 =	sld [smem:$0x3FFE];
	_ =	sdelay $0x1  }
0x8a: {  	s1 =	srdreg.scid  }
0x8b: {  	s0 =	sand.u32 $0x1, s1  }
0x8c: {  	s17 =	sshll.u32 s0, $0xA;
	s2 =	sadd.s32 s3, s2  }
0x8d: {  	s2 =	sadd.s32 s2, s17  }
0x8e: {  	[smem:$0x3FC6] =	sst s2  }
0x8f: {  	_ = 	snop  }
0x90: {  	s2 =	sld [smem:$0x3FC9]  }
0x91: {  	s18 =	sld [smem:$0x3FC8];
	(tm) =	ssettm $0x1  }
0x92: {  	s4 =	sld [smem:$0x3FFB];
	_ =	sdelay $0x3  }
0x93: {  	_ =	strace s4  }
0x94: {  	s4 =	sld [smem:$0x3FFC];
	_ =	sdelay $0x3  }
0x95: {  	_ =	strace s4  }
0x96: {  	s4 =	sld [smem:$0x3FFD];
	_ =	sdelay $0x3  }
0x97: {  	_ =	strace s4  }
0x98: {  	_ =	strace $0x8FFFFFFF  }
0x99: {  	s19 =	sld [smem:$0x3FDB];
	_ =	sdelay $0x1  }
0x9a: {  	s5 =	simm.s32 $_scs_section_size  }
0x9b: {  	s6 =	simm.s32 $_size__tile_overlayer_lowered;
	s7 =	simm.s32 $_tile_overlayer_lowered  }
0x9c: {  	s22 =	simm.s32 $0x1BFF;
	s21 =	sshll.u32 s7, $0x1;
	s4 =	sadd.s32 s5, s19  }
0x9d: {  	s8 =	simm.s32 $0x0;
	s20 =	sshll.u32 s6, $0x1;
	s6 =	sadd.s32 s21, s4  }
0x9e: {  	[timem:s8], [sflag:s22] =	dma.local [hbm:s6], s20  }
0x9f: {  	_ =	swait.ge [sflag:s22], s20  }
0xa0: {  	s5 =	ssub.s32 $0x0, s20;
	[sflag:s22] =	ssyncset.done $0x0  }
0xa1: {  	[sflag:s22] =	ssyncadd.s32 s5;
	_ =	sdelay $0x1  }
0xa2: {  	s23 =	simm.s32 $0x1B8B  }
0xa3: {  	_ =	swait.ge [sflag:s23], $0x1  }
0xa4: {  	[sflag:s23] =	ssyncset.done $0x0  }
0xa5: {  	s25 =	simm.s32 $0x1B8E;
	s24 =	sld [smem:$0x3FFE];
	[sflag:s23] =	ssyncadd.s32 $0xFFFFFFFF  }
0xa6: {  	s26 =	simm.s32 $execute0_lowered;
	[smem:$0x3FD2] =	sst s25  }
0xa7: {  	s6 =	sshll.u32 s26, $0x1;
	_ =	strace $0x80000046;
	[dreg:$0x1] =	wrdreg $0xFFFFFFFF  }
0xa8: {  	s28 =	simm.s32 $_size_execute0_lowered;
	s4 =	sadd.s32 s4, s6;
	[dreg:$0x0] =	wrdreg $0x0  }
0xa9: {  	s6 =	sshll.u32 s28, $0x1;
	[dreg:$0x2] =	wrdreg s4  }
0xaa: {  	[dreg:$0x3] =	wrdreg s6  }
0xab: {  	[dreg:$0x4] =	wrdreg $0xC0  }
0xac: {  	_ =	task [dreg:s8], $0x5FFFF  }
0xad: {  	[dreg:$0x1] =	wrdreg $0xFFFFFFFF  }
0xae: {  	[dreg:$0x0] =	wrdreg $0x60  }
0xaf: {  	[dreg:$0x2] =	wrdreg s2  }
0xb0: {  	[dreg:$0x3] =	wrdreg s18  }
0xb1: {  	[dreg:$0x4] =	wrdreg s24  }
0xb2: {  	[dreg:$0x5] =	wrdreg $0x9  }
0xb3: {  	_ =	task.clear_ibuf [dreg:s8], $0x6FFFF;
	_ =	strace $0x90000046  }
0xb4: {  	s29 =	simm.s32 $0x9;
	_ =	strace $0x80000048  }
0xb5: {  	_ =	swait.ge [sflag:s29], $0x1  }
0xb6: {  	[sflag:s29] =	ssyncadd.s32 $0xFFFFFFFF  }
0xb7: {  	_ =	strace $0x90000048  }
0xb8: {  	_ =	sfence  }
0xb9: {  	s30 =	sld [smem:$0x0];
	_ =	sdelay $0x2  }
0xba: {  	s31 =	sshll.u32 s1, $0xD;
	s1 =	sshrl.u32 s1, $0x2  }
0xbb: {  	s3 =	sand.u32 $0x4000, s31;
	s1 =	sadd.s32 s1, s30  }
0xbc: {  	s0 =	sor.u32 s3, s0;
	s1 =	sshll.u32 s1, $0x11  }
0xbd: {  	s0 =	sor.u32 s1, s0  }
0xbe: {  	s0 =	sadd.s32 $0x8F2B, s0  }
0xbf: {  	[sflag:s0] =	ssyncadd.remote.s32 $0x1  }
0xc0: {  	_ =	sfence.sel $0xFFFF  }
0xc1: {  	[dreg:$0x0] =	wrdreg $0xFFFFFFFF;
	(pc) =	sbr.abs _section_cstart, $3  }
0xc2: {  	[dreg:$0x1] =	wrdreg $0xFFFFFFFF  }
0xc3: {  	_ =	task.clear_ibuf [dreg:s8], $0x2FFFF;
	_ =	strace $0x9FFFFFFF  }
0xc4: {  	(tm) =	ssettm $0x7FFFFFFF  }
0xc5: {  	_ =	shalt  }
tec
execute0_lowered:
.L_overlay_start_1:
0x0: {  	(tag) =	ssettag $0x1  }
0x1: {  	s7 =	rddreg [dreg:$0x0]  }
0x2: {  	s1 =	rddreg [dreg:$0x1]  }
0x3: {  	s8 =	rddreg [dreg:$0x2]  }
0x4: {  	s0 =	rddreg [dreg:$0x3];
	s2 =	simm.s32 $0x0  }
0x5: {  	s3 =	srdreg.scid;
	s12 =	simm.s32 $0xC000;
	s13 =	simm.s32 $0x1  }
0x6: {  	s14 =	simm.s32 $0x2;
	s15 =	simm.s32 $0x3;
	s16 =	simm.s32 $0x4  }
0x7: {  	s17 =	simm.s32 $0x0;
	[smem:$0x7FF] =	sst s2;
	s4 =	sand.u32 $0x1, s3  }
0x8: {  	s3 =	stileid.u32;
	_ =	strace $0x80000047;
	s5 =	ssub.s32 $0x2, s4  }
0x9: {  	s9 =	sshll.u32 s3, $0x6;
	s10 =	sshll.u32 s4, $0x5;
	s6 =	sshrl.u32 s5, $0x1  }
0xa: {  	s4 =	sadd.s32 $0x400, s8;
	s8 =	sadd.s32 $0xC0400, s8;
	s11 =	ssub.s32 s5, s6  }
0xb: {  	s5 =	sor.u32 s10, s9;
	s6 =	sadd.s32 $0x180000, s7;
	s7 =	sadd.s32 $0x240000, s7  }
0xc: {  	s10 =	simm.s32 $0x5;
	s9 =	smax.u32 s11, $0x1;
	s11 =	simm.s32 $0x6000  }
.LBB2_1:
0xd: {  	s18 =	simm.s32 $0x0  }
.LBB2_2:
0xe: {  	s19 =	sshll.u32 s18, $0x2  }
0xf: {  	s19 =	sadd.s32 s5, s19  }
0x10: {  	s19 =	smul.u32 $0x300, s19;
	_ =	sdelay $0x1  }
0x11: {  	s20 =	simm.s32 $0x0;
	s21 =	sadd.s32 s1, s19  }
0x12: {  	[tilespmem:s20], [sflag:$0x5] =	stream.linear.gather [hbm4b:s21+s20], $0x6000, $0x38;
	[tilespmem:$0x12000] =	vst v63  }
0x13: {  	_ =	swait.ge [sflag:s10], $0x6000  }
0x14: {  	[sflag:s10] =	ssyncset.done $0x0  }
0x15: {  	s29 =	sadd.s32 s19, s6;
	[sflag:s10] =	ssyncadd.s32 $0xFFFFA000  }
0x16: {  	[tilespmem:s11], [sflag:$0x1] =	stream.linear.gather [hbm4b:s29+s20], $0x6000, $0x38;
	[tilespmem:$0x12000] =	vst v63  }
0x17: {  	s31 =	simm.s32 $0x0;
	s30 =	sadd.s32 s19, s7  }
0x18: {  	[tilespmem:s12], [sflag:$0x2] =	stream.linear.gather [hbm4b:s30+s20], $0x6000, $0x38;
	[tilespmem:$0x12000] =	vst v63  }
0x19: {  	s21 =	smul.u32 $0x1800, s31;
	_ =	swait.ge [sflag:s13], $0x6000  }
0x1a: {  	s22 =	sand.u32 $0x380, s20;
	[sflag:s13] =	ssyncset.done $0x0  }
0x1b: {  	s21 =	sor.u32 s22, s21;
	[sflag:s13] =	ssyncadd.s32 $0xFFFFA000  }
0x1c: {  	v0 =	vld [tilespmem:s21+$0x1470]  }
0x1d: {  	v3 =	vld [tilespmem:s21+$0x0]  }
0x1e: {  	v4 =	vld [tilespmem:s21+$0x10]  }
0x1f: {  	v5 =	vld [tilespmem:s21+$0x20]  }
0x20: {  	v6 =	vld [tilespmem:s21+$0x30]  }
0x21: {  	v7 =	vld [tilespmem:s21+$0x40]  }
0x22: {  	v8 =	vld [tilespmem:s21+$0x50]  }
0x23: {  	v9 =	vld [tilespmem:s21+$0x60]  }
0x24: {  	v10 =	vld [tilespmem:s21+$0x70]  }
0x25: {  	v11 =	vld [tilespmem:s21+$0x400]  }
0x26: {  	v12 =	vld [tilespmem:s21+$0x410]  }
0x27: {  	v13 =	vld [tilespmem:s21+$0x420]  }
0x28: {  	v14 =	vld [tilespmem:s21+$0x430]  }
0x29: {  	v15 =	vld [tilespmem:s21+$0x440]  }
0x2a: {  	v16 =	vld [tilespmem:s21+$0x450]  }
0x2b: {  	v17 =	vld [tilespmem:s21+$0x460]  }
0x2c: {  	v18 =	vld [tilespmem:s21+$0x470]  }
0x2d: {  	v19 =	vld [tilespmem:s21+$0x800]  }
0x2e: {  	v20 =	vld [tilespmem:s21+$0x810]  }
0x2f: {  	v21 =	vld [tilespmem:s21+$0x820]  }
0x30: {  	v22 =	vld [tilespmem:s21+$0x830]  }
0x31: {  	v23 =	vld [tilespmem:s21+$0x840]  }
0x32: {  	v24 =	vld [tilespmem:s21+$0x850]  }
0x33: {  	v25 =	vld [tilespmem:s21+$0x860]  }
0x34: {  	v26 =	vld [tilespmem:s21+$0x870]  }
0x35: {  	v27 =	vld [tilespmem:s21+$0xC00]  }
0x36: {  	v28 =	vld [tilespmem:s21+$0xC10]  }
0x37: {  	v29 =	vld [tilespmem:s21+$0xC20]  }
0x38: {  	v30 =	vld [tilespmem:s21+$0xC30]  }
0x39: {  	v31 =	vld [tilespmem:s21+$0xC40]  }
0x3a: {  	v32 =	vld [tilespmem:s21+$0xC50]  }
0x3b: {  	v33 =	vld [tilespmem:s21+$0xC60]  }
0x3c: {  	v34 =	vld [tilespmem:s21+$0xC70]  }
0x3d: {  	v35 =	vld [tilespmem:s21+$0x1000]  }
0x3e: {  	v36 =	vld [tilespmem:s21+$0x1010]  }
0x3f: {  	v37 =	vld [tilespmem:s21+$0x1020]  }
0x40: {  	v38 =	vld [tilespmem:s21+$0x1030]  }
0x41: {  	v39 =	vld [tilespmem:s21+$0x1040]  }
0x42: {  	v40 =	vld [tilespmem:s21+$0x1050]  }
0x43: {  	v41 =	vld [tilespmem:s21+$0x1060]  }
0x44: {  	v42 =	vld [tilespmem:s21+$0x1070]  }
0x45: {  	v43 =	vld [tilespmem:s21+$0x1400]  }
0x46: {  	v44 =	vld [tilespmem:s21+$0x1410]  }
0x47: {  	v45 =	vld [tilespmem:s21+$0x1420]  }
0x48: {  	v46 =	vld [tilespmem:s21+$0x1430]  }
0x49: {  	v2 =	vld [tilespmem:s21+$0x1440]  }
0x4a: {  	v1 =	vld [tilespmem:s21+$0x1450]  }
0x4b: {  	[tilespmem:s21+$0x7470] =	vst.add.f32.msk $0xffff, v0  }
0x4c: {  	v0 =	vld [tilespmem:s21+$0x1460]  }
0x4d: {  	[tilespmem:s21+$0x6000] =	vst.add.f32.msk $0xffff, v3  }
0x4e: {  	[tilespmem:s21+$0x6010] =	vst.add.f32.msk $0xffff, v4  }
0x4f: {  	[tilespmem:s21+$0x6020] =	vst.add.f32.msk $0xffff, v5  }
0x50: {  	[tilespmem:s21+$0x6030] =	vst.add.f32.msk $0xffff, v6  }
0x51: {  	[tilespmem:s21+$0x6040] =	vst.add.f32.msk $0xffff, v7  }
0x52: {  	[tilespmem:s21+$0x6050] =	vst.add.f32.msk $0xffff, v8  }
0x53: {  	[tilespmem:s21+$0x6060] =	vst.add.f32.msk $0xffff, v9  }
0x54: {  	[tilespmem:s21+$0x6070] =	vst.add.f32.msk $0xffff, v10  }
0x55: {  	[tilespmem:s21+$0x6400] =	vst.add.f32.msk $0xffff, v11  }
0x56: {  	[tilespmem:s21+$0x6410] =	vst.add.f32.msk $0xffff, v12  }
0x57: {  	[tilespmem:s21+$0x6420] =	vst.add.f32.msk $0xffff, v13  }
0x58: {  	[tilespmem:s21+$0x6430] =	vst.add.f32.msk $0xffff, v14  }
0x59: {  	[tilespmem:s21+$0x6440] =	vst.add.f32.msk $0xffff, v15  }
0x5a: {  	[tilespmem:s21+$0x6450] =	vst.add.f32.msk $0xffff, v16  }
0x5b: {  	[tilespmem:s21+$0x6460] =	vst.add.f32.msk $0xffff, v17  }
0x5c: {  	[tilespmem:s21+$0x6470] =	vst.add.f32.msk $0xffff, v18  }
0x5d: {  	[tilespmem:s21+$0x6800] =	vst.add.f32.msk $0xffff, v19  }
0x5e: {  	[tilespmem:s21+$0x6810] =	vst.add.f32.msk $0xffff, v20  }
0x5f: {  	[tilespmem:s21+$0x6820] =	vst.add.f32.msk $0xffff, v21  }
0x60: {  	[tilespmem:s21+$0x6830] =	vst.add.f32.msk $0xffff, v22  }
0x61: {  	[tilespmem:s21+$0x6840] =	vst.add.f32.msk $0xffff, v23  }
0x62: {  	[tilespmem:s21+$0x6850] =	vst.add.f32.msk $0xffff, v24  }
0x63: {  	[tilespmem:s21+$0x6860] =	vst.add.f32.msk $0xffff, v25  }
0x64: {  	[tilespmem:s21+$0x6870] =	vst.add.f32.msk $0xffff, v26  }
0x65: {  	[tilespmem:s21+$0x6C00] =	vst.add.f32.msk $0xffff, v27  }
0x66: {  	[tilespmem:s21+$0x6C10] =	vst.add.f32.msk $0xffff, v28  }
0x67: {  	[tilespmem:s21+$0x6C20] =	vst.add.f32.msk $0xffff, v29  }
0x68: {  	[tilespmem:s21+$0x6C30] =	vst.add.f32.msk $0xffff, v30  }
0x69: {  	[tilespmem:s21+$0x6C40] =	vst.add.f32.msk $0xffff, v31  }
0x6a: {  	[tilespmem:s21+$0x6C50] =	vst.add.f32.msk $0xffff, v32  }
0x6b: {  	[tilespmem:s21+$0x6C60] =	vst.add.f32.msk $0xffff, v33  }
0x6c: {  	[tilespmem:s21+$0x6C70] =	vst.add.f32.msk $0xffff, v34  }
0x6d: {  	[tilespmem:s21+$0x7000] =	vst.add.f32.msk $0xffff, v35  }
0x6e: {  	[tilespmem:s21+$0x7010] =	vst.add.f32.msk $0xffff, v36  }
0x6f: {  	[tilespmem:s21+$0x7020] =	vst.add.f32.msk $0xffff, v37  }
0x70: {  	[tilespmem:s21+$0x7030] =	vst.add.f32.msk $0xffff, v38  }
0x71: {  	[tilespmem:s21+$0x7040] =	vst.add.f32.msk $0xffff, v39  }
0x72: {  	[tilespmem:s21+$0x7050] =	vst.add.f32.msk $0xffff, v40  }
0x73: {  	[tilespmem:s21+$0x7060] =	vst.add.f32.msk $0xffff, v41  }
0x74: {  	[tilespmem:s21+$0x7070] =	vst.add.f32.msk $0xffff, v42  }
0x75: {  	[tilespmem:s21+$0x7400] =	vst.add.f32.msk $0xffff, v43  }
0x76: {  	[tilespmem:s21+$0x7410] =	vst.add.f32.msk $0xffff, v44  }
0x77: {  	[tilespmem:s21+$0x7420] =	vst.add.f32.msk $0xffff, v45  }
0x78: {  	s23 =	simm.s32 $0x0;
	s22 =	simm.s32 $0x2;
	[tilespmem:s21+$0x7430] =	vst.add.f32.msk $0xffff, v46  }
.LBB2_3:
0x79: {  	p0 =	sne.s32 s22, $0x1F;
	s23 =	smul.u32 $0x1800, s23;
	[tilespmem:s21+$0x7440] =	vst.add.f32.msk $0xffff, v2;
	s20 =	sadd.s32 $0x80, s20  }
0x7a: {  	s24 =	sand.u32 $0x380, s20;
	[tilespmem:s21+$0x7450] =	vst.add.f32.msk $0xffff, v1  }
0x7b: {  	[tilespmem:s21+$0x7460] =	vst.add.f32.msk $0xffff, v0;
	s21 =	sor.u32 s24, s23  }
0x7c: {  	v0 =	vld [tilespmem:s21+$0x1470]  }
0x7d: {  	v3 =	vld [tilespmem:s21+$0x0]  }
0x7e: {  	v4 =	vld [tilespmem:s21+$0x10]  }
0x7f: {  	v5 =	vld [tilespmem:s21+$0x20]  }
0x80: {  	v6 =	vld [tilespmem:s21+$0x30]  }
0x81: {  	[tilespmem:s21+$0x7470] =	vst.add.f32.msk $0xffff, v0  }
0x82: {  	v7 =	vld [tilespmem:s21+$0x40]  }
0x83: {  	v8 =	vld [tilespmem:s21+$0x50]  }
0x84: {  	v9 =	vld [tilespmem:s21+$0x60]  }
0x85: {  	v10 =	vld [tilespmem:s21+$0x70]  }
0x86: {  	v11 =	vld [tilespmem:s21+$0x400]  }
0x87: {  	v12 =	vld [tilespmem:s21+$0x410]  }
0x88: {  	v13 =	vld [tilespmem:s21+$0x420]  }
0x89: {  	v14 =	vld [tilespmem:s21+$0x430]  }
0x8a: {  	v15 =	vld [tilespmem:s21+$0x440]  }
0x8b: {  	v16 =	vld [tilespmem:s21+$0x450]  }
0x8c: {  	v17 =	vld [tilespmem:s21+$0x460]  }
0x8d: {  	v18 =	vld [tilespmem:s21+$0x470]  }
0x8e: {  	v19 =	vld [tilespmem:s21+$0x800]  }
0x8f: {  	v20 =	vld [tilespmem:s21+$0x810]  }
0x90: {  	v21 =	vld [tilespmem:s21+$0x820]  }
0x91: {  	v22 =	vld [tilespmem:s21+$0x830]  }
0x92: {  	v23 =	vld [tilespmem:s21+$0x840]  }
0x93: {  	v24 =	vld [tilespmem:s21+$0x850]  }
0x94: {  	v25 =	vld [tilespmem:s21+$0x860]  }
0x95: {  	v26 =	vld [tilespmem:s21+$0x870]  }
0x96: {  	v27 =	vld [tilespmem:s21+$0xC00]  }
0x97: {  	v28 =	vld [tilespmem:s21+$0xC10]  }
0x98: {  	v29 =	vld [tilespmem:s21+$0xC20]  }
0x99: {  	v30 =	vld [tilespmem:s21+$0xC30]  }
0x9a: {  	v31 =	vld [tilespmem:s21+$0xC40]  }
0x9b: {  	v32 =	vld [tilespmem:s21+$0xC50]  }
0x9c: {  	v33 =	vld [tilespmem:s21+$0xC60]  }
0x9d: {  	v34 =	vld [tilespmem:s21+$0xC70]  }
0x9e: {  	v35 =	vld [tilespmem:s21+$0x1000]  }
0x9f: {  	v36 =	vld [tilespmem:s21+$0x1010]  }
0xa0: {  	v37 =	vld [tilespmem:s21+$0x1020]  }
0xa1: {  	v38 =	vld [tilespmem:s21+$0x1030]  }
0xa2: {  	v39 =	vld [tilespmem:s21+$0x1040]  }
0xa3: {  	v40 =	vld [tilespmem:s21+$0x1050]  }
0xa4: {  	v41 =	vld [tilespmem:s21+$0x1060]  }
0xa5: {  	v42 =	vld [tilespmem:s21+$0x1070]  }
0xa6: {  	v43 =	vld [tilespmem:s21+$0x1400]  }
0xa7: {  	v44 =	vld [tilespmem:s21+$0x1410]  }
0xa8: {  	v45 =	vld [tilespmem:s21+$0x1420]  }
0xa9: {  	v46 =	vld [tilespmem:s21+$0x1430]  }
0xaa: {  	v2 =	vld [tilespmem:s21+$0x1440]  }
0xab: {  	v1 =	vld [tilespmem:s21+$0x1450]  }
0xac: {  	v0 =	vld [tilespmem:s21+$0x1460]  }
0xad: {  	[tilespmem:s21+$0x6000] =	vst.add.f32.msk $0xffff, v3  }
0xae: {  	[tilespmem:s21+$0x6010] =	vst.add.f32.msk $0xffff, v4  }
0xaf: {  	[tilespmem:s21+$0x6020] =	vst.add.f32.msk $0xffff, v5  }
0xb0: {  	[tilespmem:s21+$0x6030] =	vst.add.f32.msk $0xffff, v6  }
0xb1: {  	[tilespmem:s21+$0x6040] =	vst.add.f32.msk $0xffff, v7  }
0xb2: {  	[tilespmem:s21+$0x6050] =	vst.add.f32.msk $0xffff, v8  }
0xb3: {  	[tilespmem:s21+$0x6060] =	vst.add.f32.msk $0xffff, v9  }
0xb4: {  	[tilespmem:s21+$0x6070] =	vst.add.f32.msk $0xffff, v10  }
0xb5: {  	[tilespmem:s21+$0x6400] =	vst.add.f32.msk $0xffff, v11  }
0xb6: {  	[tilespmem:s21+$0x6410] =	vst.add.f32.msk $0xffff, v12  }
0xb7: {  	[tilespmem:s21+$0x6420] =	vst.add.f32.msk $0xffff, v13  }
0xb8: {  	[tilespmem:s21+$0x6430] =	vst.add.f32.msk $0xffff, v14  }
0xb9: {  	[tilespmem:s21+$0x6440] =	vst.add.f32.msk $0xffff, v15  }
0xba: {  	[tilespmem:s21+$0x6450] =	vst.add.f32.msk $0xffff, v16  }
0xbb: {  	[tilespmem:s21+$0x6460] =	vst.add.f32.msk $0xffff, v17  }
0xbc: {  	[tilespmem:s21+$0x6470] =	vst.add.f32.msk $0xffff, v18  }
0xbd: {  	[tilespmem:s21+$0x6800] =	vst.add.f32.msk $0xffff, v19  }
0xbe: {  	[tilespmem:s21+$0x6810] =	vst.add.f32.msk $0xffff, v20  }
0xbf: {  	[tilespmem:s21+$0x6820] =	vst.add.f32.msk $0xffff, v21  }
0xc0: {  	[tilespmem:s21+$0x6830] =	vst.add.f32.msk $0xffff, v22  }
0xc1: {  	[tilespmem:s21+$0x6840] =	vst.add.f32.msk $0xffff, v23  }
0xc2: {  	[tilespmem:s21+$0x6850] =	vst.add.f32.msk $0xffff, v24  }
0xc3: {  	[tilespmem:s21+$0x6860] =	vst.add.f32.msk $0xffff, v25  }
0xc4: {  	[tilespmem:s21+$0x6870] =	vst.add.f32.msk $0xffff, v26  }
0xc5: {  	[tilespmem:s21+$0x6C00] =	vst.add.f32.msk $0xffff, v27  }
0xc6: {  	[tilespmem:s21+$0x6C10] =	vst.add.f32.msk $0xffff, v28  }
0xc7: {  	[tilespmem:s21+$0x6C20] =	vst.add.f32.msk $0xffff, v29  }
0xc8: {  	[tilespmem:s21+$0x6C30] =	vst.add.f32.msk $0xffff, v30  }
0xc9: {  	[tilespmem:s21+$0x6C40] =	vst.add.f32.msk $0xffff, v31  }
0xca: {  	[tilespmem:s21+$0x6C50] =	vst.add.f32.msk $0xffff, v32  }
0xcb: {  	[tilespmem:s21+$0x6C60] =	vst.add.f32.msk $0xffff, v33  }
0xcc: {  	[tilespmem:s21+$0x6C70] =	vst.add.f32.msk $0xffff, v34  }
0xcd: {  	[tilespmem:s21+$0x7000] =	vst.add.f32.msk $0xffff, v35  }
0xce: {  	[tilespmem:s21+$0x7010] =	vst.add.f32.msk $0xffff, v36  }
0xcf: {  	[tilespmem:s21+$0x7020] =	vst.add.f32.msk $0xffff, v37  }
0xd0: {  	[tilespmem:s21+$0x7030] =	vst.add.f32.msk $0xffff, v38  }
0xd1: {  	[tilespmem:s21+$0x7040] =	vst.add.f32.msk $0xffff, v39  }
0xd2: {  	[tilespmem:s21+$0x7050] =	vst.add.f32.msk $0xffff, v40  }
0xd3: {  	[tilespmem:s21+$0x7060] =	vst.add.f32.msk $0xffff, v41  }
.Ltmp0:
0xd4: {  	[tilespmem:s21+$0x7070] =	vst.add.f32.msk $0xffff, v42;
	(pc) =	sbr.rel @p0 .LBB2_3-.Ltmp0, $4  }
0xd5: {  	[tilespmem:s21+$0x7400] =	vst.add.f32.msk $0xffff, v43  }
0xd6: {  	[tilespmem:s21+$0x7410] =	vst.add.f32.msk $0xffff, v44  }
0xd7: {  	[tilespmem:s21+$0x7420] =	vst.add.f32.msk $0xffff, v45  }
0xd8: {  	s23 =	sshrl.u32 s22, $0x3;
	s22 =	sadd.s32 $0x1, s22;
	[tilespmem:s21+$0x7430] =	vst.add.f32.msk $0xffff, v46  }
0xd9: {  	s22 =	smul.u32 $0x1800, s23;
	[tilespmem:s21+$0x7440] =	vst.add.f32.msk $0xffff, v2;
	s20 =	sadd.s32 $0x80, s20  }
0xda: {  	[tilespmem:s21+$0x7450] =	vst.add.f32.msk $0xffff, v1;
	s20 =	sand.u32 $0x380, s20  }
0xdb: {  	[tilespmem:s21+$0x7460] =	vst.add.f32.msk $0xffff, v0;
	s20 =	sor.u32 s20, s22  }
0xdc: {  	v0 =	vld [tilespmem:s20+$0x1470]  }
0xdd: {  	v1 =	vld [tilespmem:s20+$0x0]  }
0xde: {  	v2 =	vld [tilespmem:s20+$0x10]  }
0xdf: {  	v3 =	vld [tilespmem:s20+$0x20]  }
0xe0: {  	v4 =	vld [tilespmem:s20+$0x30]  }
0xe1: {  	v5 =	vld [tilespmem:s20+$0x50]  }
0xe2: {  	v6 =	vld [tilespmem:s20+$0x60]  }
0xe3: {  	v7 =	vld [tilespmem:s20+$0x70]  }
0xe4: {  	v8 =	vld [tilespmem:s20+$0x400]  }
0xe5: {  	v9 =	vld [tilespmem:s20+$0x410]  }
0xe6: {  	v10 =	vld [tilespmem:s20+$0x420]  }
0xe7: {  	v11 =	vld [tilespmem:s20+$0x430]  }
0xe8: {  	v12 =	vld [tilespmem:s20+$0x440]  }
0xe9: {  	v13 =	vld [tilespmem:s20+$0x450]  }
0xea: {  	v14 =	vld [tilespmem:s20+$0x460]  }
0xeb: {  	v15 =	vld [tilespmem:s20+$0x470]  }
0xec: {  	v16 =	vld [tilespmem:s20+$0x800]  }
0xed: {  	v17 =	vld [tilespmem:s20+$0x810]  }
0xee: {  	v18 =	vld [tilespmem:s20+$0x820]  }
0xef: {  	v19 =	vld [tilespmem:s20+$0x830]  }
0xf0: {  	v20 =	vld [tilespmem:s20+$0x840]  }
0xf1: {  	v21 =	vld [tilespmem:s20+$0x850]  }
0xf2: {  	v22 =	vld [tilespmem:s20+$0x860]  }
0xf3: {  	v23 =	vld [tilespmem:s20+$0x870]  }
0xf4: {  	v24 =	vld [tilespmem:s20+$0xC00]  }
0xf5: {  	v25 =	vld [tilespmem:s20+$0xC10]  }
0xf6: {  	v26 =	vld [tilespmem:s20+$0xC20]  }
0xf7: {  	v27 =	vld [tilespmem:s20+$0xC30]  }
0xf8: {  	v28 =	vld [tilespmem:s20+$0xC40]  }
0xf9: {  	v29 =	vld [tilespmem:s20+$0xC50]  }
0xfa: {  	v30 =	vld [tilespmem:s20+$0xC60]  }
0xfb: {  	v31 =	vld [tilespmem:s20+$0xC70]  }
0xfc: {  	v32 =	vld [tilespmem:s20+$0x1000]  }
0xfd: {  	v33 =	vld [tilespmem:s20+$0x1010]  }
0xfe: {  	v34 =	vld [tilespmem:s20+$0x1020]  }
0xff: {  	v35 =	vld [tilespmem:s20+$0x1030]  }
0x100: {  	v36 =	vld [tilespmem:s20+$0x1040]  }
0x101: {  	v37 =	vld [tilespmem:s20+$0x1050]  }
0x102: {  	v38 =	vld [tilespmem:s20+$0x1060]  }
0x103: {  	v39 =	vld [tilespmem:s20+$0x1070]  }
0x104: {  	v40 =	vld [tilespmem:s20+$0x1400]  }
0x105: {  	v41 =	vld [tilespmem:s20+$0x1410]  }
0x106: {  	v42 =	vld [tilespmem:s20+$0x1420]  }
0x107: {  	v43 =	vld [tilespmem:s20+$0x1430]  }
0x108: {  	v44 =	vld [tilespmem:s20+$0x1440]  }
0x109: {  	v45 =	vld [tilespmem:s20+$0x1450]  }
0x10a: {  	v46 =	vld [tilespmem:s20+$0x1460]  }
0x10b: {  	[tilespmem:s20+$0x7470] =	vst.add.f32.msk $0xffff, v0  }
0x10c: {  	v0 =	vld [tilespmem:s20+$0x40]  }
0x10d: {  	[tilespmem:s20+$0x6000] =	vst.add.f32.msk $0xffff, v1  }
0x10e: {  	[tilespmem:s20+$0x6010] =	vst.add.f32.msk $0xffff, v2  }
0x10f: {  	[tilespmem:s20+$0x6020] =	vst.add.f32.msk $0xffff, v3  }
0x110: {  	[tilespmem:s20+$0x6030] =	vst.add.f32.msk $0xffff, v4  }
0x111: {  	[tilespmem:s20+$0x6050] =	vst.add.f32.msk $0xffff, v5  }
0x112: {  	[tilespmem:s20+$0x6060] =	vst.add.f32.msk $0xffff, v6  }
0x113: {  	[tilespmem:s20+$0x6070] =	vst.add.f32.msk $0xffff, v7  }
0x114: {  	[tilespmem:s20+$0x6400] =	vst.add.f32.msk $0xffff, v8  }
0x115: {  	[tilespmem:s20+$0x6410] =	vst.add.f32.msk $0xffff, v9  }
0x116: {  	[tilespmem:s20+$0x6420] =	vst.add.f32.msk $0xffff, v10  }
0x117: {  	[tilespmem:s20+$0x6430] =	vst.add.f32.msk $0xffff, v11  }
0x118: {  	[tilespmem:s20+$0x6440] =	vst.add.f32.msk $0xffff, v12  }
0x119: {  	[tilespmem:s20+$0x6450] =	vst.add.f32.msk $0xffff, v13  }
0x11a: {  	[tilespmem:s20+$0x6460] =	vst.add.f32.msk $0xffff, v14  }
0x11b: {  	[tilespmem:s20+$0x6470] =	vst.add.f32.msk $0xffff, v15  }
0x11c: {  	[tilespmem:s20+$0x6800] =	vst.add.f32.msk $0xffff, v16  }
0x11d: {  	[tilespmem:s20+$0x6810] =	vst.add.f32.msk $0xffff, v17  }
0x11e: {  	[tilespmem:s20+$0x6820] =	vst.add.f32.msk $0xffff, v18  }
0x11f: {  	[tilespmem:s20+$0x6830] =	vst.add.f32.msk $0xffff, v19  }
0x120: {  	[tilespmem:s20+$0x6840] =	vst.add.f32.msk $0xffff, v20  }
0x121: {  	[tilespmem:s20+$0x6850] =	vst.add.f32.msk $0xffff, v21  }
0x122: {  	[tilespmem:s20+$0x6860] =	vst.add.f32.msk $0xffff, v22  }
0x123: {  	[tilespmem:s20+$0x6870] =	vst.add.f32.msk $0xffff, v23  }
0x124: {  	[tilespmem:s20+$0x6C00] =	vst.add.f32.msk $0xffff, v24  }
0x125: {  	[tilespmem:s20+$0x6C10] =	vst.add.f32.msk $0xffff, v25  }
0x126: {  	[tilespmem:s20+$0x6C20] =	vst.add.f32.msk $0xffff, v26  }
0x127: {  	[tilespmem:s20+$0x6C30] =	vst.add.f32.msk $0xffff, v27  }
0x128: {  	[tilespmem:s20+$0x6C40] =	vst.add.f32.msk $0xffff, v28  }
0x129: {  	[tilespmem:s20+$0x6C50] =	vst.add.f32.msk $0xffff, v29  }
0x12a: {  	[tilespmem:s20+$0x6C60] =	vst.add.f32.msk $0xffff, v30  }
0x12b: {  	[tilespmem:s20+$0x6C70] =	vst.add.f32.msk $0xffff, v31  }
0x12c: {  	[tilespmem:s20+$0x7000] =	vst.add.f32.msk $0xffff, v32  }
0x12d: {  	[tilespmem:s20+$0x7010] =	vst.add.f32.msk $0xffff, v33  }
0x12e: {  	[tilespmem:s20+$0x7020] =	vst.add.f32.msk $0xffff, v34  }
0x12f: {  	[tilespmem:s20+$0x7030] =	vst.add.f32.msk $0xffff, v35  }
0x130: {  	[tilespmem:s20+$0x7040] =	vst.add.f32.msk $0xffff, v36  }
0x131: {  	[tilespmem:s20+$0x7050] =	vst.add.f32.msk $0xffff, v37  }
0x132: {  	[tilespmem:s20+$0x7060] =	vst.add.f32.msk $0xffff, v38  }
0x133: {  	[tilespmem:s20+$0x7070] =	vst.add.f32.msk $0xffff, v39  }
0x134: {  	[tilespmem:s20+$0x7400] =	vst.add.f32.msk $0xffff, v40  }
0x135: {  	[tilespmem:s20+$0x7410] =	vst.add.f32.msk $0xffff, v41  }
0x136: {  	[tilespmem:s20+$0x7420] =	vst.add.f32.msk $0xffff, v42  }
0x137: {  	[tilespmem:s20+$0x7430] =	vst.add.f32.msk $0xffff, v43  }
0x138: {  	[tilespmem:s20+$0x7440] =	vst.add.f32.msk $0xffff, v44  }
0x139: {  	[tilespmem:s20+$0x7450] =	vst.add.f32.msk $0xffff, v45  }
0x13a: {  	[tilespmem:s20+$0x7460] =	vst.add.f32.msk $0xffff, v46  }
0x13b: {  	s29 =	sadd.s32 s4, s19;
	s30 =	simm.s32 $0x0;
	[tilespmem:s20+$0x6040] =	vst.add.f32.msk $0xffff, v0;
	s20 =	simm.s32 $0x0  }
0x13c: {  	[hbm4b:s29+s20] =	stream.linear.scatter [tilespmem:s11], [sflag:$0x3], $0x6000, $0x38;
	[tilespmem:$0x12000] =	vst v63  }
0x13d: {  	s21 =	smul.u32 $0x1800, s30;
	_ =	swait.ge [sflag:s14], $0x6000  }
0x13e: {  	s31 =	sand.u32 $0x380, s20;
	[sflag:s14] =	ssyncset.done $0x0  }
0x13f: {  	s21 =	sor.u32 s31, s21;
	[sflag:s14] =	ssyncadd.s32 $0xFFFFA000  }
0x140: {  	v0 =	vld [tilespmem:s21+$0x1470]  }
0x141: {  	v3 =	vld [tilespmem:s21+$0x0]  }
0x142: {  	v4 =	vld [tilespmem:s21+$0x10]  }
0x143: {  	v5 =	vld [tilespmem:s21+$0x20]  }
0x144: {  	v6 =	vld [tilespmem:s21+$0x30]  }
0x145: {  	v7 =	vld [tilespmem:s21+$0x40]  }
0x146: {  	v8 =	vld [tilespmem:s21+$0x50]  }
0x147: {  	v9 =	vld [tilespmem:s21+$0x60]  }
0x148: {  	v10 =	vld [tilespmem:s21+$0x70]  }
0x149: {  	v11 =	vld [tilespmem:s21+$0x400]  }
0x14a: {  	v12 =	vld [tilespmem:s21+$0x410]  }
0x14b: {  	v13 =	vld [tilespmem:s21+$0x420]  }
0x14c: {  	v14 =	vld [tilespmem:s21+$0x430]  }
0x14d: {  	v15 =	vld [tilespmem:s21+$0x440]  }
0x14e: {  	v16 =	vld [tilespmem:s21+$0x450]  }
0x14f: {  	v17 =	vld [tilespmem:s21+$0x460]  }
0x150: {  	v18 =	vld [tilespmem:s21+$0x470]  }
0x151: {  	v19 =	vld [tilespmem:s21+$0x800]  }
0x152: {  	v20 =	vld [tilespmem:s21+$0x810]  }
0x153: {  	v21 =	vld [tilespmem:s21+$0x820]  }
0x154: {  	v22 =	vld [tilespmem:s21+$0x830]  }
0x155: {  	v23 =	vld [tilespmem:s21+$0x840]  }
0x156: {  	v24 =	vld [tilespmem:s21+$0x850]  }
0x157: {  	v25 =	vld [tilespmem:s21+$0x860]  }
0x158: {  	v26 =	vld [tilespmem:s21+$0x870]  }
0x159: {  	v27 =	vld [tilespmem:s21+$0xC00]  }
0x15a: {  	v28 =	vld [tilespmem:s21+$0xC10]  }
0x15b: {  	v29 =	vld [tilespmem:s21+$0xC20]  }
0x15c: {  	v30 =	vld [tilespmem:s21+$0xC30]  }
0x15d: {  	v48 =	vld [tilespmem:s21+$0xC40]  }
0x15e: {  	v49 =	vld [tilespmem:s21+$0xC50]  }
0x15f: {  	v50 =	vld [tilespmem:s21+$0xC60]  }
0x160: {  	v51 =	vld [tilespmem:s21+$0xC70]  }
0x161: {  	v52 =	vld [tilespmem:s21+$0x1000]  }
0x162: {  	v53 =	vld [tilespmem:s21+$0x1010]  }
0x163: {  	v54 =	vld [tilespmem:s21+$0x1020]  }
0x164: {  	v55 =	vld [tilespmem:s21+$0x1030]  }
0x165: {  	v56 =	vld [tilespmem:s21+$0x1040]  }
0x166: {  	v57 =	vld [tilespmem:s21+$0x1050]  }
0x167: {  	v58 =	vld [tilespmem:s21+$0x1060]  }
0x168: {  	v59 =	vld [tilespmem:s21+$0x1070]  }
0x169: {  	v60 =	vld [tilespmem:s21+$0x1400]  }
0x16a: {  	v61 =	vld [tilespmem:s21+$0x1410]  }
0x16b: {  	v62 =	vld [tilespmem:s21+$0x1420]  }
0x16c: {  	v63 =	vld [tilespmem:s21+$0x1430]  }
0x16d: {  	v2 =	vld [tilespmem:s21+$0x1440]  }
0x16e: {  	v1 =	vld [tilespmem:s21+$0x1450]  }
0x16f: {  	[tilespmem:s21+$0xD470] =	vst.add.f32.msk $0xffff, v0  }
0x170: {  	v0 =	vld [tilespmem:s21+$0x1460]  }
0x171: {  	[tilespmem:s21+$0xC000] =	vst.add.f32.msk $0xffff, v3  }
0x172: {  	[tilespmem:s21+$0xC010] =	vst.add.f32.msk $0xffff, v4  }
0x173: {  	[tilespmem:s21+$0xC020] =	vst.add.f32.msk $0xffff, v5  }
0x174: {  	[tilespmem:s21+$0xC030] =	vst.add.f32.msk $0xffff, v6  }
0x175: {  	[tilespmem:s21+$0xC040] =	vst.add.f32.msk $0xffff, v7  }
0x176: {  	[tilespmem:s21+$0xC050] =	vst.add.f32.msk $0xffff, v8  }
0x177: {  	[tilespmem:s21+$0xC060] =	vst.add.f32.msk $0xffff, v9  }
0x178: {  	[tilespmem:s21+$0xC070] =	vst.add.f32.msk $0xffff, v10  }
0x179: {  	[tilespmem:s21+$0xC400] =	vst.add.f32.msk $0xffff, v11  }
0x17a: {  	[tilespmem:s21+$0xC410] =	vst.add.f32.msk $0xffff, v12  }
0x17b: {  	[tilespmem:s21+$0xC420] =	vst.add.f32.msk $0xffff, v13  }
0x17c: {  	[tilespmem:s21+$0xC430] =	vst.add.f32.msk $0xffff, v14  }
0x17d: {  	[tilespmem:s21+$0xC440] =	vst.add.f32.msk $0xffff, v15  }
0x17e: {  	[tilespmem:s21+$0xC450] =	vst.add.f32.msk $0xffff, v16  }
0x17f: {  	[tilespmem:s21+$0xC460] =	vst.add.f32.msk $0xffff, v17  }
0x180: {  	[tilespmem:s21+$0xC470] =	vst.add.f32.msk $0xffff, v18  }
0x181: {  	[tilespmem:s21+$0xC800] =	vst.add.f32.msk $0xffff, v19  }
0x182: {  	[tilespmem:s21+$0xC810] =	vst.add.f32.msk $0xffff, v20  }
0x183: {  	[tilespmem:s21+$0xC820] =	vst.add.f32.msk $0xffff, v21  }
0x184: {  	[tilespmem:s21+$0xC830] =	vst.add.f32.msk $0xffff, v22  }
0x185: {  	[tilespmem:s21+$0xC840] =	vst.add.f32.msk $0xffff, v23  }
0x186: {  	[tilespmem:s21+$0xC850] =	vst.add.f32.msk $0xffff, v24  }
0x187: {  	[tilespmem:s21+$0xC860] =	vst.add.f32.msk $0xffff, v25  }
0x188: {  	[tilespmem:s21+$0xC870] =	vst.add.f32.msk $0xffff, v26  }
0x189: {  	[tilespmem:s21+$0xCC00] =	vst.add.f32.msk $0xffff, v27  }
0x18a: {  	[tilespmem:s21+$0xCC10] =	vst.add.f32.msk $0xffff, v28  }
0x18b: {  	[tilespmem:s21+$0xCC20] =	vst.add.f32.msk $0xffff, v29  }
0x18c: {  	[tilespmem:s21+$0xCC30] =	vst.add.f32.msk $0xffff, v30  }
0x18d: {  	[tilespmem:s21+$0xCC40] =	vst.add.f32.msk $0xffff, v48  }
0x18e: {  	[tilespmem:s21+$0xCC50] =	vst.add.f32.msk $0xffff, v49  }
0x18f: {  	[tilespmem:s21+$0xCC60] =	vst.add.f32.msk $0xffff, v50  }
0x190: {  	[tilespmem:s21+$0xCC70] =	vst.add.f32.msk $0xffff, v51  }
0x191: {  	[tilespmem:s21+$0xD000] =	vst.add.f32.msk $0xffff, v52  }
0x192: {  	[tilespmem:s21+$0xD010] =	vst.add.f32.msk $0xffff, v53  }
0x193: {  	[tilespmem:s21+$0xD020] =	vst.add.f32.msk $0xffff, v54  }
0x194: {  	[tilespmem:s21+$0xD030] =	vst.add.f32.msk $0xffff, v55  }
0x195: {  	[tilespmem:s21+$0xD040] =	vst.add.f32.msk $0xffff, v56  }
0x196: {  	[tilespmem:s21+$0xD050] =	vst.add.f32.msk $0xffff, v57  }
0x197: {  	[tilespmem:s21+$0xD060] =	vst.add.f32.msk $0xffff, v58  }
0x198: {  	[tilespmem:s21+$0xD070] =	vst.add.f32.msk $0xffff, v59  }
0x199: {  	[tilespmem:s21+$0xD400] =	vst.add.f32.msk $0xffff, v60  }
0x19a: {  	[tilespmem:s21+$0xD410] =	vst.add.f32.msk $0xffff, v61  }
0x19b: {  	[tilespmem:s21+$0xD420] =	vst.add.f32.msk $0xffff, v62  }
0x19c: {  	s23 =	simm.s32 $0x0;
	s22 =	simm.s32 $0x2;
	[tilespmem:s21+$0xD430] =	vst.add.f32.msk $0xffff, v63  }
.LBB2_5:
0x19d: {  	p0 =	sne.s32 s22, $0x1F;
	s23 =	smul.u32 $0x1800, s23;
	[tilespmem:s21+$0xD440] =	vst.add.f32.msk $0xffff, v2;
	s20 =	sadd.s32 $0x80, s20  }
0x19e: {  	s24 =	sand.u32 $0x380, s20;
	[tilespmem:s21+$0xD450] =	vst.add.f32.msk $0xffff, v1  }
0x19f: {  	[tilespmem:s21+$0xD460] =	vst.add.f32.msk $0xffff, v0;
	s21 =	sor.u32 s24, s23  }
0x1a0: {  	v0 =	vld [tilespmem:s21+$0x1470]  }
0x1a1: {  	v3 =	vld [tilespmem:s21+$0x0]  }
0x1a2: {  	v4 =	vld [tilespmem:s21+$0x10]  }
0x1a3: {  	v5 =	vld [tilespmem:s21+$0x20]  }
0x1a4: {  	v6 =	vld [tilespmem:s21+$0x30]  }
0x1a5: {  	[tilespmem:s21+$0xD470] =	vst.add.f32.msk $0xffff, v0  }
0x1a6: {  	v7 =	vld [tilespmem:s21+$0x40]  }
0x1a7: {  	v8 =	vld [tilespmem:s21+$0x50]  }
0x1a8: {  	v9 =	vld [tilespmem:s21+$0x60]  }
0x1a9: {  	v10 =	vld [tilespmem:s21+$0x70]  }
0x1aa: {  	v11 =	vld [tilespmem:s21+$0x400]  }
0x1ab: {  	v12 =	vld [tilespmem:s21+$0x410]  }
0x1ac: {  	v13 =	vld [tilespmem:s21+$0x420]  }
0x1ad: {  	v14 =	vld [tilespmem:s21+$0x430]  }
0x1ae: {  	v15 =	vld [tilespmem:s21+$0x440]  }
0x1af: {  	v16 =	vld [tilespmem:s21+$0x450]  }
0x1b0: {  	v17 =	vld [tilespmem:s21+$0x460]  }
0x1b1: {  	v18 =	vld [tilespmem:s21+$0x470]  }
0x1b2: {  	v19 =	vld [tilespmem:s21+$0x800]  }
0x1b3: {  	v20 =	vld [tilespmem:s21+$0x810]  }
0x1b4: {  	v21 =	vld [tilespmem:s21+$0x820]  }
0x1b5: {  	v22 =	vld [tilespmem:s21+$0x830]  }
0x1b6: {  	v23 =	vld [tilespmem:s21+$0x840]  }
0x1b7: {  	v24 =	vld [tilespmem:s21+$0x850]  }
0x1b8: {  	v25 =	vld [tilespmem:s21+$0x860]  }
0x1b9: {  	v26 =	vld [tilespmem:s21+$0x870]  }
0x1ba: {  	v27 =	vld [tilespmem:s21+$0xC00]  }
0x1bb: {  	v28 =	vld [tilespmem:s21+$0xC10]  }
0x1bc: {  	v29 =	vld [tilespmem:s21+$0xC20]  }
0x1bd: {  	v30 =	vld [tilespmem:s21+$0xC30]  }
0x1be: {  	v31 =	vld [tilespmem:s21+$0xC40]  }
0x1bf: {  	v32 =	vld [tilespmem:s21+$0xC50]  }
0x1c0: {  	v33 =	vld [tilespmem:s21+$0xC60]  }
0x1c1: {  	v34 =	vld [tilespmem:s21+$0xC70]  }
0x1c2: {  	v35 =	vld [tilespmem:s21+$0x1000]  }
0x1c3: {  	v36 =	vld [tilespmem:s21+$0x1010]  }
0x1c4: {  	v37 =	vld [tilespmem:s21+$0x1020]  }
0x1c5: {  	v38 =	vld [tilespmem:s21+$0x1030]  }
0x1c6: {  	v39 =	vld [tilespmem:s21+$0x1040]  }
0x1c7: {  	v40 =	vld [tilespmem:s21+$0x1050]  }
0x1c8: {  	v41 =	vld [tilespmem:s21+$0x1060]  }
0x1c9: {  	v42 =	vld [tilespmem:s21+$0x1070]  }
0x1ca: {  	v43 =	vld [tilespmem:s21+$0x1400]  }
0x1cb: {  	v44 =	vld [tilespmem:s21+$0x1410]  }
0x1cc: {  	v45 =	vld [tilespmem:s21+$0x1420]  }
0x1cd: {  	v46 =	vld [tilespmem:s21+$0x1430]  }
0x1ce: {  	v2 =	vld [tilespmem:s21+$0x1440]  }
0x1cf: {  	v1 =	vld [tilespmem:s21+$0x1450]  }
0x1d0: {  	v0 =	vld [tilespmem:s21+$0x1460]  }
0x1d1: {  	[tilespmem:s21+$0xC000] =	vst.add.f32.msk $0xffff, v3  }
0x1d2: {  	[tilespmem:s21+$0xC010] =	vst.add.f32.msk $0xffff, v4  }
0x1d3: {  	[tilespmem:s21+$0xC020] =	vst.add.f32.msk $0xffff, v5  }
0x1d4: {  	[tilespmem:s21+$0xC030] =	vst.add.f32.msk $0xffff, v6  }
0x1d5: {  	[tilespmem:s21+$0xC040] =	vst.add.f32.msk $0xffff, v7  }
0x1d6: {  	[tilespmem:s21+$0xC050] =	vst.add.f32.msk $0xffff, v8  }
0x1d7: {  	[tilespmem:s21+$0xC060] =	vst.add.f32.msk $0xffff, v9  }
0x1d8: {  	[tilespmem:s21+$0xC070] =	vst.add.f32.msk $0xffff, v10  }
0x1d9: {  	[tilespmem:s21+$0xC400] =	vst.add.f32.msk $0xffff, v11  }
0x1da: {  	[tilespmem:s21+$0xC410] =	vst.add.f32.msk $0xffff, v12  }
0x1db: {  	[tilespmem:s21+$0xC420] =	vst.add.f32.msk $0xffff, v13  }
0x1dc: {  	[tilespmem:s21+$0xC430] =	vst.add.f32.msk $0xffff, v14  }
0x1dd: {  	[tilespmem:s21+$0xC440] =	vst.add.f32.msk $0xffff, v15  }
0x1de: {  	[tilespmem:s21+$0xC450] =	vst.add.f32.msk $0xffff, v16  }
0x1df: {  	[tilespmem:s21+$0xC460] =	vst.add.f32.msk $0xffff, v17  }
0x1e0: {  	[tilespmem:s21+$0xC470] =	vst.add.f32.msk $0xffff, v18  }
0x1e1: {  	[tilespmem:s21+$0xC800] =	vst.add.f32.msk $0xffff, v19  }
0x1e2: {  	[tilespmem:s21+$0xC810] =	vst.add.f32.msk $0xffff, v20  }
0x1e3: {  	[tilespmem:s21+$0xC820] =	vst.add.f32.msk $0xffff, v21  }
0x1e4: {  	[tilespmem:s21+$0xC830] =	vst.add.f32.msk $0xffff, v22  }
0x1e5: {  	[tilespmem:s21+$0xC840] =	vst.add.f32.msk $0xffff, v23  }
0x1e6: {  	[tilespmem:s21+$0xC850] =	vst.add.f32.msk $0xffff, v24  }
0x1e7: {  	[tilespmem:s21+$0xC860] =	vst.add.f32.msk $0xffff, v25  }
0x1e8: {  	[tilespmem:s21+$0xC870] =	vst.add.f32.msk $0xffff, v26  }
0x1e9: {  	[tilespmem:s21+$0xCC00] =	vst.add.f32.msk $0xffff, v27  }
0x1ea: {  	[tilespmem:s21+$0xCC10] =	vst.add.f32.msk $0xffff, v28  }
0x1eb: {  	[tilespmem:s21+$0xCC20] =	vst.add.f32.msk $0xffff, v29  }
0x1ec: {  	[tilespmem:s21+$0xCC30] =	vst.add.f32.msk $0xffff, v30  }
0x1ed: {  	[tilespmem:s21+$0xCC40] =	vst.add.f32.msk $0xffff, v31  }
0x1ee: {  	[tilespmem:s21+$0xCC50] =	vst.add.f32.msk $0xffff, v32  }
0x1ef: {  	[tilespmem:s21+$0xCC60] =	vst.add.f32.msk $0xffff, v33  }
0x1f0: {  	[tilespmem:s21+$0xCC70] =	vst.add.f32.msk $0xffff, v34  }
0x1f1: {  	[tilespmem:s21+$0xD000] =	vst.add.f32.msk $0xffff, v35  }
0x1f2: {  	[tilespmem:s21+$0xD010] =	vst.add.f32.msk $0xffff, v36  }
0x1f3: {  	[tilespmem:s21+$0xD020] =	vst.add.f32.msk $0xffff, v37  }
0x1f4: {  	[tilespmem:s21+$0xD030] =	vst.add.f32.msk $0xffff, v38  }
0x1f5: {  	[tilespmem:s21+$0xD040] =	vst.add.f32.msk $0xffff, v39  }
0x1f6: {  	[tilespmem:s21+$0xD050] =	vst.add.f32.msk $0xffff, v40  }
0x1f7: {  	[tilespmem:s21+$0xD060] =	vst.add.f32.msk $0xffff, v41  }
.Ltmp1:
0x1f8: {  	[tilespmem:s21+$0xD070] =	vst.add.f32.msk $0xffff, v42;
	(pc) =	sbr.rel @p0 .LBB2_5-.Ltmp1, $4  }
0x1f9: {  	[tilespmem:s21+$0xD400] =	vst.add.f32.msk $0xffff, v43  }
0x1fa: {  	[tilespmem:s21+$0xD410] =	vst.add.f32.msk $0xffff, v44  }
0x1fb: {  	[tilespmem:s21+$0xD420] =	vst.add.f32.msk $0xffff, v45  }
0x1fc: {  	s23 =	sshrl.u32 s22, $0x3;
	s22 =	sadd.s32 $0x1, s22;
	[tilespmem:s21+$0xD430] =	vst.add.f32.msk $0xffff, v46  }
0x1fd: {  	s22 =	smul.u32 $0x1800, s23;
	[tilespmem:s21+$0xD440] =	vst.add.f32.msk $0xffff, v2;
	s20 =	sadd.s32 $0x80, s20  }
0x1fe: {  	[tilespmem:s21+$0xD450] =	vst.add.f32.msk $0xffff, v1;
	s20 =	sand.u32 $0x380, s20  }
0x1ff: {  	[tilespmem:s21+$0xD460] =	vst.add.f32.msk $0xffff, v0;
	s20 =	sor.u32 s20, s22  }
0x200: {  	v0 =	vld [tilespmem:s20+$0x1470]  }
0x201: {  	v1 =	vld [tilespmem:s20+$0x0]  }
0x202: {  	v2 =	vld [tilespmem:s20+$0x10]  }
0x203: {  	v3 =	vld [tilespmem:s20+$0x20]  }
0x204: {  	v4 =	vld [tilespmem:s20+$0x30]  }
0x205: {  	v63 =	vld [tilespmem:s20+$0x40]  }
0x206: {  	v5 =	vld [tilespmem:s20+$0x50]  }
0x207: {  	v6 =	vld [tilespmem:s20+$0x60]  }
0x208: {  	v7 =	vld [tilespmem:s20+$0x70]  }
0x209: {  	v8 =	vld [tilespmem:s20+$0x400]  }
0x20a: {  	v9 =	vld [tilespmem:s20+$0x410]  }
0x20b: {  	v10 =	vld [tilespmem:s20+$0x420]  }
0x20c: {  	v11 =	vld [tilespmem:s20+$0x430]  }
0x20d: {  	v12 =	vld [tilespmem:s20+$0x440]  }
0x20e: {  	v13 =	vld [tilespmem:s20+$0x450]  }
0x20f: {  	v14 =	vld [tilespmem:s20+$0x460]  }
0x210: {  	v15 =	vld [tilespmem:s20+$0x470]  }
0x211: {  	v16 =	vld [tilespmem:s20+$0x800]  }
0x212: {  	v17 =	vld [tilespmem:s20+$0x810]  }
0x213: {  	v18 =	vld [tilespmem:s20+$0x820]  }
0x214: {  	v19 =	vld [tilespmem:s20+$0x830]  }
0x215: {  	v20 =	vld [tilespmem:s20+$0x840]  }
0x216: {  	v21 =	vld [tilespmem:s20+$0x850]  }
0x217: {  	v22 =	vld [tilespmem:s20+$0x860]  }
0x218: {  	v23 =	vld [tilespmem:s20+$0x870]  }
0x219: {  	v24 =	vld [tilespmem:s20+$0xC00]  }
0x21a: {  	v25 =	vld [tilespmem:s20+$0xC10]  }
0x21b: {  	v26 =	vld [tilespmem:s20+$0xC20]  }
0x21c: {  	v27 =	vld [tilespmem:s20+$0xC30]  }
0x21d: {  	v28 =	vld [tilespmem:s20+$0xC40]  }
0x21e: {  	v29 =	vld [tilespmem:s20+$0xC50]  }
0x21f: {  	v30 =	vld [tilespmem:s20+$0xC60]  }
0x220: {  	v31 =	vld [tilespmem:s20+$0xC70]  }
0x221: {  	v32 =	vld [tilespmem:s20+$0x1000]  }
0x222: {  	v33 =	vld [tilespmem:s20+$0x1010]  }
0x223: {  	v34 =	vld [tilespmem:s20+$0x1020]  }
0x224: {  	v35 =	vld [tilespmem:s20+$0x1030]  }
0x225: {  	v36 =	vld [tilespmem:s20+$0x1040]  }
0x226: {  	v37 =	vld [tilespmem:s20+$0x1050]  }
0x227: {  	v38 =	vld [tilespmem:s20+$0x1060]  }
0x228: {  	v39 =	vld [tilespmem:s20+$0x1070]  }
0x229: {  	v40 =	vld [tilespmem:s20+$0x1400]  }
0x22a: {  	v41 =	vld [tilespmem:s20+$0x1410]  }
0x22b: {  	v42 =	vld [tilespmem:s20+$0x1420]  }
0x22c: {  	v43 =	vld [tilespmem:s20+$0x1430]  }
0x22d: {  	v44 =	vld [tilespmem:s20+$0x1440]  }
0x22e: {  	v45 =	vld [tilespmem:s20+$0x1450]  }
0x22f: {  	v46 =	vld [tilespmem:s20+$0x1460]  }
0x230: {  	[tilespmem:s20+$0xD470] =	vst.add.f32.msk $0xffff, v0  }
0x231: {  	[tilespmem:s20+$0xC000] =	vst.add.f32.msk $0xffff, v1  }
0x232: {  	[tilespmem:s20+$0xC010] =	vst.add.f32.msk $0xffff, v2  }
0x233: {  	[tilespmem:s20+$0xC020] =	vst.add.f32.msk $0xffff, v3  }
0x234: {  	[tilespmem:s20+$0xC030] =	vst.add.f32.msk $0xffff, v4  }
0x235: {  	[tilespmem:s20+$0xC040] =	vst.add.f32.msk $0xffff, v63  }
0x236: {  	[tilespmem:s20+$0xC050] =	vst.add.f32.msk $0xffff, v5  }
0x237: {  	[tilespmem:s20+$0xC060] =	vst.add.f32.msk $0xffff, v6  }
0x238: {  	[tilespmem:s20+$0xC070] =	vst.add.f32.msk $0xffff, v7  }
0x239: {  	[tilespmem:s20+$0xC400] =	vst.add.f32.msk $0xffff, v8  }
0x23a: {  	[tilespmem:s20+$0xC410] =	vst.add.f32.msk $0xffff, v9  }
0x23b: {  	[tilespmem:s20+$0xC420] =	vst.add.f32.msk $0xffff, v10  }
0x23c: {  	[tilespmem:s20+$0xC430] =	vst.add.f32.msk $0xffff, v11  }
0x23d: {  	[tilespmem:s20+$0xC440] =	vst.add.f32.msk $0xffff, v12  }
0x23e: {  	[tilespmem:s20+$0xC450] =	vst.add.f32.msk $0xffff, v13  }
0x23f: {  	[tilespmem:s20+$0xC460] =	vst.add.f32.msk $0xffff, v14  }
0x240: {  	[tilespmem:s20+$0xC470] =	vst.add.f32.msk $0xffff, v15  }
0x241: {  	[tilespmem:s20+$0xC800] =	vst.add.f32.msk $0xffff, v16  }
0x242: {  	[tilespmem:s20+$0xC810] =	vst.add.f32.msk $0xffff, v17  }
0x243: {  	[tilespmem:s20+$0xC820] =	vst.add.f32.msk $0xffff, v18  }
0x244: {  	[tilespmem:s20+$0xC830] =	vst.add.f32.msk $0xffff, v19  }
0x245: {  	[tilespmem:s20+$0xC840] =	vst.add.f32.msk $0xffff, v20  }
0x246: {  	[tilespmem:s20+$0xC850] =	vst.add.f32.msk $0xffff, v21  }
0x247: {  	[tilespmem:s20+$0xC860] =	vst.add.f32.msk $0xffff, v22  }
0x248: {  	[tilespmem:s20+$0xC870] =	vst.add.f32.msk $0xffff, v23  }
0x249: {  	[tilespmem:s20+$0xCC00] =	vst.add.f32.msk $0xffff, v24  }
0x24a: {  	[tilespmem:s20+$0xCC10] =	vst.add.f32.msk $0xffff, v25  }
0x24b: {  	[tilespmem:s20+$0xCC20] =	vst.add.f32.msk $0xffff, v26  }
0x24c: {  	[tilespmem:s20+$0xCC30] =	vst.add.f32.msk $0xffff, v27  }
0x24d: {  	[tilespmem:s20+$0xCC40] =	vst.add.f32.msk $0xffff, v28  }
0x24e: {  	[tilespmem:s20+$0xCC50] =	vst.add.f32.msk $0xffff, v29  }
0x24f: {  	[tilespmem:s20+$0xCC60] =	vst.add.f32.msk $0xffff, v30  }
0x250: {  	[tilespmem:s20+$0xCC70] =	vst.add.f32.msk $0xffff, v31  }
0x251: {  	[tilespmem:s20+$0xD000] =	vst.add.f32.msk $0xffff, v32  }
0x252: {  	[tilespmem:s20+$0xD010] =	vst.add.f32.msk $0xffff, v33  }
0x253: {  	[tilespmem:s20+$0xD020] =	vst.add.f32.msk $0xffff, v34  }
0x254: {  	[tilespmem:s20+$0xD030] =	vst.add.f32.msk $0xffff, v35  }
0x255: {  	[tilespmem:s20+$0xD040] =	vst.add.f32.msk $0xffff, v36  }
0x256: {  	[tilespmem:s20+$0xD050] =	vst.add.f32.msk $0xffff, v37  }
0x257: {  	[tilespmem:s20+$0xD060] =	vst.add.f32.msk $0xffff, v38  }
0x258: {  	[tilespmem:s20+$0xD070] =	vst.add.f32.msk $0xffff, v39  }
0x259: {  	[tilespmem:s20+$0xD400] =	vst.add.f32.msk $0xffff, v40  }
0x25a: {  	[tilespmem:s20+$0xD410] =	vst.add.f32.msk $0xffff, v41  }
0x25b: {  	[tilespmem:s20+$0xD420] =	vst.add.f32.msk $0xffff, v42  }
0x25c: {  	[tilespmem:s20+$0xD430] =	vst.add.f32.msk $0xffff, v43  }
0x25d: {  	[tilespmem:s20+$0xD440] =	vst.add.f32.msk $0xffff, v44  }
0x25e: {  	[tilespmem:s20+$0xD450] =	vst.add.f32.msk $0xffff, v45  }
0x25f: {  	s19 =	sadd.s32 s19, s8;
	s18 =	sadd.s32 $0x1, s18;
	[tilespmem:s20+$0xD460] =	vst.add.f32.msk $0xffff, v46  }
0x260: {  	[hbm4b:s19+s2] =	stream.linear.scatter [tilespmem:s12], [sflag:$0x4], $0x6000, $0x38;
	[tilespmem:$0x12000] =	vst v63  }
0x261: {  	p0 =	sne.s32 s18, $0x8;
	_ =	swait.ge [sflag:s15], $0x6000  }
.Ltmp2:
0x262: {  	[sflag:s15] =	ssyncset.done $0x0;
	(pc) =	sbr.rel @p0 .LBB2_2-.Ltmp2, $4  }
0x263: {  	[sflag:s15] =	ssyncadd.s32 $0xFFFFA000  }
0x264: {  	_ =	swait.ge [sflag:s16], $0x6000  }
0x265: {  	[sflag:s16] =	ssyncset.done $0x0  }
0x266: {  	[sflag:s16] =	ssyncadd.s32 $0xFFFFA000  }
0x267: {  	s17 =	sadd.s32 $0x1, s17  }
0x268: {  	p0 =	sne.s32 s17, s9  }
.Ltmp3:
0x269: {  	_ = 	snop;
	(pc) =	sbr.rel @p0 .LBB2_1-.Ltmp3, $1  }
0x26a: {  	_ =	sdelay $0x3  }
0x26b: {  	_ =	sfence.sel $0x180000  }
0x26c: {  	[bflag:$0x0] =	sbarrier.arrive $0xFFFF  }
0x26d: {  	p0 =	sne.s32 s3, $0x0;
	_ =	strace $0x90000047  }
0x26e: {  	s0 =	sadd.s32 @!p0 $0x100000, s0;
	[bflag:$0x2] =	sbarrier.arrive $0xFFFF  }
0x26f: {  	[sflag:s0] =	ssyncadd.tile.s32 @!p0 $0x1;
	_ =	shalt  }
.Lfunc_end2:
_tile_overlayer_lowered:
.L_overlay_start_2:
0x270: {  	(tag) =	ssettag $0x2  }
0x271: {  	s0 =	rddreg [dreg:$0x0];
	s2 =	stileid.u32  }
0x272: {  	s1 =	rddreg [dreg:$0x1];
	p0 =	sne.s32 s2, $0x0  }
0x273: {  	s3 =	rddreg [dreg:$0x2];
	[bflag:$0x3] =	sbarrier.arrive $0xFFFF;
	s2 =	simm.s32 @!p0 $0x1C05  }
0x274: {  	[timem:s3], [sflag:s2] =	dma.local @!p0 [hbm:s0], s1  }
0x275: {  	s0 =	simm.s32 @!p0 $0x5  }
0x276: {  	_ =	swait.ge @!p0 [sflag:s0], s1  }
0x277: {  	s1 =	ssub.s32 @!p0 $0x0, s1;
	[sflag:s0] =	ssyncset.done @!p0 $0x0  }
0x278: {  	[sflag:s0] =	ssyncadd.s32 @!p0 s1  }
0x279: {  	[bflag:$0x3] =	sbarrier.arrive $0xFFFF  }
0x27a: {  	_ =	shalt  }

</sc_bundles>
